<compile_context>
chip_gen: v7x
topology: tpu7x:2x2x1
jax: 0.10.2.dev20260603
libtpu: 0.0.44.dev20260713+nightly
codegen_flags: <defaults>
</compile_context>

<pallas_src>
import functools

import jax
import jax.numpy as jnp
from jax import lax
from jax.experimental import pallas as pl
from jax.experimental.pallas import tpu as pltpu
from jax.experimental.pallas import tpu_sc as plsc

BATCH = 4
SEQ = 2048
EMBED = 128
NW = 32
ROWS_PER_W = (BATCH * SEQ) // NW
LANES = 16


SPW = SEQ // NW


def _body(x_hbm, tok_hbm, pos_hbm, out_hbm, idx_v, tok_v,
          g0, g1, g2, g3, p_sem, st_sem):
    cid = lax.axis_index("c")
    sid = lax.axis_index("s")
    wid = sid * 2 + cid
    s0 = wid * SPW

    g_sems = (g0, g1, g2, g3)
    pos_cp = pltpu.async_copy(pos_hbm.at[pl.ds(s0, SPW)],
                              tok_v.at[pl.ds(0, SPW)], p_sem)
    idx_cps = [pltpu.async_copy(x_hbm.at[b, pl.ds(s0, SPW)], idx_v.at[b],
                                g_sems[b]) for b in range(BATCH)]
    pos_cp.wait()

    gathers = [None] * BATCH
    for b in range(1, BATCH):
        off = b * SPW

        @plsc.parallel_loop(0, SPW, unroll=2)
        def cprow(r):
            for c in range(EMBED // LANES):
                sl = pl.ds(c * LANES, LANES)
                tok_v[off + r, sl] = tok_v[r, sl]

        idx_cps[b].wait()
        gathers[b] = pltpu.async_copy(
            tok_hbm.at[idx_v.at[b]], tok_v.at[pl.ds(off, SPW)],
            g_sems[b], add=True)
    idx_cps[0].wait()
    gathers[0] = pltpu.async_copy(
        tok_hbm.at[idx_v.at[0]], tok_v.at[pl.ds(0, SPW)], g_sems[0],
        add=True)

    stores = []
    for b in range(BATCH):
        off = b * SPW
        gathers[b].wait()
        stores.append(pltpu.async_copy(
            tok_v.at[pl.ds(off, SPW)],
            out_hbm.at[pl.ds(b * SEQ + s0, SPW)], st_sem))
    for st in stores:
        st.wait()


@jax.jit
def _emb_lookup(x2d, token_table, position_table):
    mesh = plsc.VectorSubcoreMesh(core_axis_name="c", subcore_axis_name="s")
    return pl.kernel(
        _body,
        mesh=mesh,
        out_type=jax.ShapeDtypeStruct((BATCH * SEQ, EMBED), jnp.float32),
        scratch_types=[
            pltpu.VMEM((BATCH, SPW), jnp.int32),
            pltpu.VMEM((ROWS_PER_W, EMBED), jnp.float32),
            pltpu.SemaphoreType.DMA,
            pltpu.SemaphoreType.DMA,
            pltpu.SemaphoreType.DMA,
            pltpu.SemaphoreType.DMA,
            pltpu.SemaphoreType.DMA,
            pltpu.SemaphoreType.DMA,
        ],
    )(x2d, token_table, position_table)


def kernel(x, token_table, position_table):
    out = _emb_lookup(x.astype(jnp.int32), token_table, position_table)
    return out.reshape(BATCH, SEQ, EMBED)

# --- scband reference (transcript-rebuilt; emitter-appended) ---
"""Pipeline reference for scband-gpt-52243982188985 (READ-ONLY COPY).

The authoritative reference and input builder live on the scoring server;
editing this copy changes nothing except your own understanding.
"""

import jax, jax.numpy as jnp
import numpy as np

VOCAB = 100000
EMBED = 128
BLOCK = 2048
BATCH = 4
SEQ = 2048

def setup_inputs(seed: int = 0) -> dict:
    key = jax.random.key(seed)
    k1, k2, k3 = jax.random.split(key, 3)
    x = jax.random.randint(k1, (BATCH, SEQ), 0, VOCAB, dtype=jnp.int64 if jax.config.jax_enable_x64 else jnp.int32)
    token_table = jax.random.normal(k2, (VOCAB, EMBED), dtype=jnp.float32) * 0.02
    position_table = jax.random.normal(k3, (BLOCK, EMBED), dtype=jnp.float32) * 0.02
    return {"x": x, "token_table": token_table, "position_table": position_table}

def reference(x, token_table, position_table):
    # token embedding gather: [B, S, E]
    tok = jnp.take(token_table, x, axis=0)
    # position embedding: [1, S, E]
    positions = jnp.arange(0, x.shape[1])
    pos = jnp.take(position_table, positions, axis=0)[None, :, :]
    out = tok + pos
    # dropout with p=0.0 (eval / identity)
    return out

if __name__ == "__main__":
    import jax
    _d = setup_inputs()
    print(jax.jit(kernel)(*tuple(_d.values())))

</pallas_src>

<mosaic_0001>
#map = affine_map<(d0, d1) -> (0, 0)>
module attributes {stable_mosaic.version = 14 : i64} {
  func.func @_body(%arg0: i32, %arg1: i32, %arg2: memref<4x2048xi32, #tpu.memory_space<hbm>>, %arg3: memref<100000x128xf32, #tpu.memory_space<hbm>>, %arg4: memref<2048x128xf32, #tpu.memory_space<hbm>>, %arg5: memref<8192x128xf32, #tpu.memory_space<hbm>>, %arg6: memref<4x64xi32, #tpu.memory_space<vmem>>, %arg7: memref<256x128xf32, #tpu.memory_space<vmem>>, %arg8: memref<!tpu.dma_semaphore, #tpu.memory_space<semaphore_mem>>, %arg9: memref<!tpu.dma_semaphore, #tpu.memory_space<semaphore_mem>>, %arg10: memref<!tpu.dma_semaphore, #tpu.memory_space<semaphore_mem>>, %arg11: memref<!tpu.dma_semaphore, #tpu.memory_space<semaphore_mem>>, %arg12: memref<!tpu.dma_semaphore, #tpu.memory_space<semaphore_mem>>, %arg13: memref<!tpu.dma_semaphore, #tpu.memory_space<semaphore_mem>>) attributes {dimension_semantics = [#tpu.dimension_semantics<core_parallel>, #tpu.dimension_semantics<subcore_parallel>], iteration_bounds = array<i64: 2, 16>, scalar_prefetch = 0 : i64, scratch_operands = 8 : i64, tpu.core_type = #tpu.core_type<sc_vector_subcore>, window_params = [{transform_indices = #map}, {transform_indices = #map}, {transform_indices = #map}, {transform_indices = #map}]} {
    %mul3A = arith.constant 2 : i32
    %mul3A_0 = arith.muli %arg1, %mul3A : i32
    %add3A = arith.addi %mul3A_0, %arg0 : i32
    %mul3A_1 = arith.constant 64 : i32
    %mul3A_2 = arith.muli %add3A, %mul3A_1 : i32
    %dma_start3A = arith.constant 0 : i32
    %dma_start3A_3 = arith.constant 0 : i32
    %dma_start3A_4 = tpu.memref_slice %arg7[%dma_start3A, %dma_start3A_3] : memref<256x128xf32, #tpu.memory_space<vmem>> -> memref<64x128xf32, #tpu.memory_space<vmem>>
    %dma_start3A_5 = arith.constant 0 : i32
    %dma_start3A_6 = tpu.memref_slice %arg4[%mul3A_2, %dma_start3A_5] : memref<2048x128xf32, #tpu.memory_space<hbm>> -> memref<64x128xf32, #tpu.memory_space<hbm>>
    %dma_start3A_7 = arith.constant 0 : i32
    %dma_start3A_8 = arith.constant 0 : i32
    %dma_start3A_9 = tpu.memref_slice %arg7[%dma_start3A_7, %dma_start3A_8] : memref<256x128xf32, #tpu.memory_space<vmem>> -> memref<64x128xf32, #tpu.memory_space<vmem>>
    %dma_start3A_10 = arith.constant 0 : i32
    %dma_start3A_11 = tpu.memref_slice %arg4[%mul3A_2, %dma_start3A_10] : memref<2048x128xf32, #tpu.memory_space<hbm>> -> memref<64x128xf32, #tpu.memory_space<hbm>>
    tpu.enqueue_dma source(%dma_start3A_11 : memref<64x128xf32, #tpu.memory_space<hbm>>) target(%dma_start3A_9 : memref<64x128xf32, #tpu.memory_space<vmem>>) target_semaphore(%arg12 : memref<!tpu.dma_semaphore, #tpu.memory_space<semaphore_mem>>)
    %dma_start3A_12 = arith.constant 0 : i32
    %dma_start3A_13 = arith.constant 0 : i32
    %dma_start3A_14 = arith.constant 0 : i32
    %dma_start3A_15 = tpu.memref_slice %arg6[%dma_start3A_13, %dma_start3A_14] : memref<4x64xi32, #tpu.memory_space<vmem>> -> memref<1x64xi32, #tpu.memory_space<vmem>>
    %dma_start3A_16 = tpu.memref_squeeze %dma_start3A_15 : memref<1x64xi32, #tpu.memory_space<vmem>> -> memref<64xi32, #tpu.memory_space<vmem>>
    %dma_start3A_17 = tpu.memref_slice %arg2[%dma_start3A_12, %mul3A_2] : memref<4x2048xi32, #tpu.memory_space<hbm>> -> memref<1x64xi32, #tpu.memory_space<hbm>>
    %dma_start3A_18 = tpu.memref_squeeze %dma_start3A_17 : memref<1x64xi32, #tpu.memory_space<hbm>> -> memref<64xi32, #tpu.memory_space<hbm>>
    %dma_start3A_19 = arith.constant 0 : i32
    %dma_start3A_20 = tpu.memref_slice %arg6[%dma_start3A_13, %dma_start3A_19] : memref<4x64xi32, #tpu.memory_space<vmem>> -> memref<1x64xi32, #tpu.memory_space<vmem>>
    %dma_start3A_21 = tpu.memref_squeeze %dma_start3A_20 : memref<1x64xi32, #tpu.memory_space<vmem>> -> memref<64xi32, #tpu.memory_space<vmem>>
    %dma_start3A_22 = tpu.memref_slice %arg2[%dma_start3A_12, %mul3A_2] : memref<4x2048xi32, #tpu.memory_space<hbm>> -> memref<1x64xi32, #tpu.memory_space<hbm>>
    %dma_start3A_23 = tpu.memref_squeeze %dma_start3A_22 : memref<1x64xi32, #tpu.memory_space<hbm>> -> memref<64xi32, #tpu.memory_space<hbm>>
    tpu.enqueue_dma source(%dma_start3A_23 : memref<64xi32, #tpu.memory_space<hbm>>) target(%dma_start3A_21 : memref<64xi32, #tpu.memory_space<vmem>>) target_semaphore(%arg8 : memref<!tpu.dma_semaphore, #tpu.memory_space<semaphore_mem>>)
    %dma_start3A_24 = arith.constant 1 : i32
    %dma_start3A_25 = arith.constant 1 : i32
    %dma_start3A_26 = arith.constant 0 : i32
    %dma_start3A_27 = tpu.memref_slice %arg6[%dma_start3A_25, %dma_start3A_26] : memref<4x64xi32, #tpu.memory_space<vmem>> -> memref<1x64xi32, #tpu.memory_space<vmem>>
    %dma_start3A_28 = tpu.memref_squeeze %dma_start3A_27 : memref<1x64xi32, #tpu.memory_space<vmem>> -> memref<64xi32, #tpu.memory_space<vmem>>
    %dma_start3A_29 = tpu.memref_slice %arg2[%dma_start3A_24, %mul3A_2] : memref<4x2048xi32, #tpu.memory_space<hbm>> -> memref<1x64xi32, #tpu.memory_space<hbm>>
    %dma_start3A_30 = tpu.memref_squeeze %dma_start3A_29 : memref<1x64xi32, #tpu.memory_space<hbm>> -> memref<64xi32, #tpu.memory_space<hbm>>
    %dma_start3A_31 = arith.constant 0 : i32
    %dma_start3A_32 = tpu.memref_slice %arg6[%dma_start3A_25, %dma_start3A_31] : memref<4x64xi32, #tpu.memory_space<vmem>> -> memref<1x64xi32, #tpu.memory_space<vmem>>
    %dma_start3A_33 = tpu.memref_squeeze %dma_start3A_32 : memref<1x64xi32, #tpu.memory_space<vmem>> -> memref<64xi32, #tpu.memory_space<vmem>>
    %dma_start3A_34 = tpu.memref_slice %arg2[%dma_start3A_24, %mul3A_2] : memref<4x2048xi32, #tpu.memory_space<hbm>> -> memref<1x64xi32, #tpu.memory_space<hbm>>
    %dma_start3A_35 = tpu.memref_squeeze %dma_start3A_34 : memref<1x64xi32, #tpu.memory_space<hbm>> -> memref<64xi32, #tpu.memory_space<hbm>>
    tpu.enqueue_dma source(%dma_start3A_35 : memref<64xi32, #tpu.memory_space<hbm>>) target(%dma_start3A_33 : memref<64xi32, #tpu.memory_space<vmem>>) target_semaphore(%arg9 : memref<!tpu.dma_semaphore, #tpu.memory_space<semaphore_mem>>)
    %dma_start3A_36 = arith.constant 2 : i32
    %dma_start3A_37 = arith.constant 2 : i32
    %dma_start3A_38 = arith.constant 0 : i32
    %dma_start3A_39 = tpu.memref_slice %arg6[%dma_start3A_37, %dma_start3A_38] : memref<4x64xi32, #tpu.memory_space<vmem>> -> memref<1x64xi32, #tpu.memory_space<vmem>>
    %dma_start3A_40 = tpu.memref_squeeze %dma_start3A_39 : memref<1x64xi32, #tpu.memory_space<vmem>> -> memref<64xi32, #tpu.memory_space<vmem>>
    %dma_start3A_41 = tpu.memref_slice %arg2[%dma_start3A_36, %mul3A_2] : memref<4x2048xi32, #tpu.memory_space<hbm>> -> memref<1x64xi32, #tpu.memory_space<hbm>>
    %dma_start3A_42 = tpu.memref_squeeze %dma_start3A_41 : memref<1x64xi32, #tpu.memory_space<hbm>> -> memref<64xi32, #tpu.memory_space<hbm>>
    %dma_start3A_43 = arith.constant 0 : i32
    %dma_start3A_44 = tpu.memref_slice %arg6[%dma_start3A_37, %dma_start3A_43] : memref<4x64xi32, #tpu.memory_space<vmem>> -> memref<1x64xi32, #tpu.memory_space<vmem>>
    %dma_start3A_45 = tpu.memref_squeeze %dma_start3A_44 : memref<1x64xi32, #tpu.memory_space<vmem>> -> memref<64xi32, #tpu.memory_space<vmem>>
    %dma_start3A_46 = tpu.memref_slice %arg2[%dma_start3A_36, %mul3A_2] : memref<4x2048xi32, #tpu.memory_space<hbm>> -> memref<1x64xi32, #tpu.memory_space<hbm>>
    %dma_start3A_47 = tpu.memref_squeeze %dma_start3A_46 : memref<1x64xi32, #tpu.memory_space<hbm>> -> memref<64xi32, #tpu.memory_space<hbm>>
    tpu.enqueue_dma source(%dma_start3A_47 : memref<64xi32, #tpu.memory_space<hbm>>) target(%dma_start3A_45 : memref<64xi32, #tpu.memory_space<vmem>>) target_semaphore(%arg10 : memref<!tpu.dma_semaphore, #tpu.memory_space<semaphore_mem>>)
    %dma_start3A_48 = arith.constant 3 : i32
    %dma_start3A_49 = arith.constant 3 : i32
    %dma_start3A_50 = arith.constant 0 : i32
    %dma_start3A_51 = tpu.memref_slice %arg6[%dma_start3A_49, %dma_start3A_50] : memref<4x64xi32, #tpu.memory_space<vmem>> -> memref<1x64xi32, #tpu.memory_space<vmem>>
    %dma_start3A_52 = tpu.memref_squeeze %dma_start3A_51 : memref<1x64xi32, #tpu.memory_space<vmem>> -> memref<64xi32, #tpu.memory_space<vmem>>
    %dma_start3A_53 = tpu.memref_slice %arg2[%dma_start3A_48, %mul3A_2] : memref<4x2048xi32, #tpu.memory_space<hbm>> -> memref<1x64xi32, #tpu.memory_space<hbm>>
    %dma_start3A_54 = tpu.memref_squeeze %dma_start3A_53 : memref<1x64xi32, #tpu.memory_space<hbm>> -> memref<64xi32, #tpu.memory_space<hbm>>
    %dma_start3A_55 = arith.constant 0 : i32
    %dma_start3A_56 = tpu.memref_slice %arg6[%dma_start3A_49, %dma_start3A_55] : memref<4x64xi32, #tpu.memory_space<vmem>> -> memref<1x64xi32, #tpu.memory_space<vmem>>
    %dma_start3A_57 = tpu.memref_squeeze %dma_start3A_56 : memref<1x64xi32, #tpu.memory_space<vmem>> -> memref<64xi32, #tpu.memory_space<vmem>>
    %dma_start3A_58 = tpu.memref_slice %arg2[%dma_start3A_48, %mul3A_2] : memref<4x2048xi32, #tpu.memory_space<hbm>> -> memref<1x64xi32, #tpu.memory_space<hbm>>
    %dma_start3A_59 = tpu.memref_squeeze %dma_start3A_58 : memref<1x64xi32, #tpu.memory_space<hbm>> -> memref<64xi32, #tpu.memory_space<hbm>>
    tpu.enqueue_dma source(%dma_start3A_59 : memref<64xi32, #tpu.memory_space<hbm>>) target(%dma_start3A_57 : memref<64xi32, #tpu.memory_space<vmem>>) target_semaphore(%arg11 : memref<!tpu.dma_semaphore, #tpu.memory_space<semaphore_mem>>)
    %dma_wait3A = arith.constant 0 : i32
    %dma_wait3A_60 = arith.constant 0 : i32
    %dma_wait3A_61 = tpu.memref_slice %arg7[%dma_wait3A, %dma_wait3A_60] : memref<256x128xf32, #tpu.memory_space<vmem>> -> memref<64x128xf32, #tpu.memory_space<vmem>>
    %dma_wait3A_62 = arith.constant 0 : i32
    %dma_wait3A_63 = tpu.memref_slice %arg4[%mul3A_2, %dma_wait3A_62] : memref<2048x128xf32, #tpu.memory_space<hbm>> -> memref<64x128xf32, #tpu.memory_space<hbm>>
    %dma_wait3A_64 = arith.constant 0 : i32
    %dma_wait3A_65 = arith.constant 0 : i32
    %dma_wait3A_66 = tpu.memref_slice %arg7[%dma_wait3A_64, %dma_wait3A_65] : memref<256x128xf32, #tpu.memory_space<vmem>> -> memref<64x128xf32, #tpu.memory_space<vmem>>
    %dma_wait3A_67 = arith.constant 0 : i32
    %dma_wait3A_68 = tpu.memref_slice %arg4[%mul3A_2, %dma_wait3A_67] : memref<2048x128xf32, #tpu.memory_space<hbm>> -> memref<64x128xf32, #tpu.memory_space<hbm>>
    tpu.wait_dma2 semaphore(%arg12 : memref<!tpu.dma_semaphore, #tpu.memory_space<semaphore_mem>>) src(%dma_wait3A_68 : memref<64x128xf32, #tpu.memory_space<hbm>>) dst(%dma_wait3A_66 : memref<64x128xf32, #tpu.memory_space<vmem>>)
    %parallel_loop3A = arith.constant 0 : i32
    %parallel_loop3A_69 = arith.constant 64 : i32
    %parallel_loop3A_70 = arith.constant 1 : i32
    scf.for %parallel_loop3A_293 = %parallel_loop3A to %parallel_loop3A_69 step %parallel_loop3A_70  : i32 {
      %parallel_loop3A_294 = arith.index_cast %parallel_loop3A_293 : i32 to index
      %parallel_loop3A_295 = arith.constant 0 : index
      %parallel_loop3A_296 = tpu.vector_load %arg7[%parallel_loop3A_294, %parallel_loop3A_295] {strides = array<i32>} : memref<256x128xf32, #tpu.memory_space<vmem>>, vector<1x16xf32>,
      %parallel_loop3A_297 = vector.shape_cast %parallel_loop3A_296 : vector<1x16xf32> to vector<16xf32>
      %parallel_loop3A_298 = arith.constant 64 : i32
      %parallel_loop3A_299 = arith.addi %parallel_loop3A_298, %parallel_loop3A_293 : i32
      %parallel_loop3A_300 = arith.index_cast %parallel_loop3A_299 : i32 to index
      %parallel_loop3A_301 = arith.constant 0 : index
      %parallel_loop3A_302 = tpu.vector_load %arg7[%parallel_loop3A_300, %parallel_loop3A_301] {strides = array<i32>} : memref<256x128xf32, #tpu.memory_space<vmem>>, vector<1x16xf32>,
      %parallel_loop3A_303 = vector.shape_cast %parallel_loop3A_302 : vector<1x16xf32> to vector<16xf32>
      %parallel_loop3A_304 = vector.shape_cast %parallel_loop3A_297 : vector<16xf32> to vector<1x16xf32>
      tpu.vector_store %arg7[%parallel_loop3A_300, %parallel_loop3A_301], %parallel_loop3A_304 {strides = array<i32>} : memref<256x128xf32, #tpu.memory_space<vmem>>, vector<1x16xf32>,
      %parallel_loop3A_305 = arith.index_cast %parallel_loop3A_293 : i32 to index
      %parallel_loop3A_306 = arith.constant 16 : index
      %parallel_loop3A_307 = tpu.vector_load %arg7[%parallel_loop3A_305, %parallel_loop3A_306] {strides = array<i32>} : memref<256x128xf32, #tpu.memory_space<vmem>>, vector<1x16xf32>,
      %parallel_loop3A_308 = vector.shape_cast %parallel_loop3A_307 : vector<1x16xf32> to vector<16xf32>
      %parallel_loop3A_309 = arith.constant 64 : i32
      %parallel_loop3A_310 = arith.addi %parallel_loop3A_309, %parallel_loop3A_293 : i32
      %parallel_loop3A_311 = arith.index_cast %parallel_loop3A_310 : i32 to index
      %parallel_loop3A_312 = arith.constant 16 : index
      %parallel_loop3A_313 = tpu.vector_load %arg7[%parallel_loop3A_311, %parallel_loop3A_312] {strides = array<i32>} : memref<256x128xf32, #tpu.memory_space<vmem>>, vector<1x16xf32>,
      %parallel_loop3A_314 = vector.shape_cast %parallel_loop3A_313 : vector<1x16xf32> to vector<16xf32>
      %parallel_loop3A_315 = vector.shape_cast %parallel_loop3A_308 : vector<16xf32> to vector<1x16xf32>
      tpu.vector_store %arg7[%parallel_loop3A_311, %parallel_loop3A_312], %parallel_loop3A_315 {strides = array<i32>} : memref<256x128xf32, #tpu.memory_space<vmem>>, vector<1x16xf32>,
      %parallel_loop3A_316 = arith.index_cast %parallel_loop3A_293 : i32 to index
      %parallel_loop3A_317 = arith.constant 32 : index
      %parallel_loop3A_318 = tpu.vector_load %arg7[%parallel_loop3A_316, %parallel_loop3A_317] {strides = array<i32>} : memref<256x128xf32, #tpu.memory_space<vmem>>, vector<1x16xf32>,
      %parallel_loop3A_319 = vector.shape_cast %parallel_loop3A_318 : vector<1x16xf32> to vector<16xf32>
      %parallel_loop3A_320 = arith.constant 64 : i32
      %parallel_loop3A_321 = arith.addi %parallel_loop3A_320, %parallel_loop3A_293 : i32
      %parallel_loop3A_322 = arith.index_cast %parallel_loop3A_321 : i32 to index
      %parallel_loop3A_323 = arith.constant 32 : index
      %parallel_loop3A_324 = tpu.vector_load %arg7[%parallel_loop3A_322, %parallel_loop3A_323] {strides = array<i32>} : memref<256x128xf32, #tpu.memory_space<vmem>>, vector<1x16xf32>,
      %parallel_loop3A_325 = vector.shape_cast %parallel_loop3A_324 : vector<1x16xf32> to vector<16xf32>
      %parallel_loop3A_326 = vector.shape_cast %parallel_loop3A_319 : vector<16xf32> to vector<1x16xf32>
      tpu.vector_store %arg7[%parallel_loop3A_322, %parallel_loop3A_323], %parallel_loop3A_326 {strides = array<i32>} : memref<256x128xf32, #tpu.memory_space<vmem>>, vector<1x16xf32>,
      %parallel_loop3A_327 = arith.index_cast %parallel_loop3A_293 : i32 to index
      %parallel_loop3A_328 = arith.constant 48 : index
      %parallel_loop3A_329 = tpu.vector_load %arg7[%parallel_loop3A_327, %parallel_loop3A_328] {strides = array<i32>} : memref<256x128xf32, #tpu.memory_space<vmem>>, vector<1x16xf32>,
      %parallel_loop3A_330 = vector.shape_cast %parallel_loop3A_329 : vector<1x16xf32> to vector<16xf32>
      %parallel_loop3A_331 = arith.constant 64 : i32
      %parallel_loop3A_332 = arith.addi %parallel_loop3A_331, %parallel_loop3A_293 : i32
      %parallel_loop3A_333 = arith.index_cast %parallel_loop3A_332 : i32 to index
      %parallel_loop3A_334 = arith.constant 48 : index
      %parallel_loop3A_335 = tpu.vector_load %arg7[%parallel_loop3A_333, %parallel_loop3A_334] {strides = array<i32>} : memref<256x128xf32, #tpu.memory_space<vmem>>, vector<1x16xf32>,
      %parallel_loop3A_336 = vector.shape_cast %parallel_loop3A_335 : vector<1x16xf32> to vector<16xf32>
      %parallel_loop3A_337 = vector.shape_cast %parallel_loop3A_330 : vector<16xf32> to vector<1x16xf32>
      tpu.vector_store %arg7[%parallel_loop3A_333, %parallel_loop3A_334], %parallel_loop3A_337 {strides = array<i32>} : memref<256x128xf32, #tpu.memory_space<vmem>>, vector<1x16xf32>,
      %parallel_loop3A_338 = arith.index_cast %parallel_loop3A_293 : i32 to index
      %parallel_loop3A_339 = arith.constant 64 : index
      %parallel_loop3A_340 = tpu.vector_load %arg7[%parallel_loop3A_338, %parallel_loop3A_339] {strides = array<i32>} : memref<256x128xf32, #tpu.memory_space<vmem>>, vector<1x16xf32>,
      %parallel_loop3A_341 = vector.shape_cast %parallel_loop3A_340 : vector<1x16xf32> to vector<16xf32>
      %parallel_loop3A_342 = arith.constant 64 : i32
      %parallel_loop3A_343 = arith.addi %parallel_loop3A_342, %parallel_loop3A_293 : i32
      %parallel_loop3A_344 = arith.index_cast %parallel_loop3A_343 : i32 to index
      %parallel_loop3A_345 = arith.constant 64 : index
      %parallel_loop3A_346 = tpu.vector_load %arg7[%parallel_loop3A_344, %parallel_loop3A_345] {strides = array<i32>} : memref<256x128xf32, #tpu.memory_space<vmem>>, vector<1x16xf32>,
      %parallel_loop3A_347 = vector.shape_cast %parallel_loop3A_346 : vector<1x16xf32> to vector<16xf32>
      %parallel_loop3A_348 = vector.shape_cast %parallel_loop3A_341 : vector<16xf32> to vector<1x16xf32>
      tpu.vector_store %arg7[%parallel_loop3A_344, %parallel_loop3A_345], %parallel_loop3A_348 {strides = array<i32>} : memref<256x128xf32, #tpu.memory_space<vmem>>, vector<1x16xf32>,
      %parallel_loop3A_349 = arith.index_cast %parallel_loop3A_293 : i32 to index
      %parallel_loop3A_350 = arith.constant 80 : index
      %parallel_loop3A_351 = tpu.vector_load %arg7[%parallel_loop3A_349, %parallel_loop3A_350] {strides = array<i32>} : memref<256x128xf32, #tpu.memory_space<vmem>>, vector<1x16xf32>,
      %parallel_loop3A_352 = vector.shape_cast %parallel_loop3A_351 : vector<1x16xf32> to vector<16xf32>
      %parallel_loop3A_353 = arith.constant 64 : i32
      %parallel_loop3A_354 = arith.addi %parallel_loop3A_353, %parallel_loop3A_293 : i32
      %parallel_loop3A_355 = arith.index_cast %parallel_loop3A_354 : i32 to index
      %parallel_loop3A_356 = arith.constant 80 : index
      %parallel_loop3A_357 = tpu.vector_load %arg7[%parallel_loop3A_355, %parallel_loop3A_356] {strides = array<i32>} : memref<256x128xf32, #tpu.memory_space<vmem>>, vector<1x16xf32>,
      %parallel_loop3A_358 = vector.shape_cast %parallel_loop3A_357 : vector<1x16xf32> to vector<16xf32>
      %parallel_loop3A_359 = vector.shape_cast %parallel_loop3A_352 : vector<16xf32> to vector<1x16xf32>
      tpu.vector_store %arg7[%parallel_loop3A_355, %parallel_loop3A_356], %parallel_loop3A_359 {strides = array<i32>} : memref<256x128xf32, #tpu.memory_space<vmem>>, vector<1x16xf32>,
      %parallel_loop3A_360 = arith.index_cast %parallel_loop3A_293 : i32 to index
      %parallel_loop3A_361 = arith.constant 96 : index
      %parallel_loop3A_362 = tpu.vector_load %arg7[%parallel_loop3A_360, %parallel_loop3A_361] {strides = array<i32>} : memref<256x128xf32, #tpu.memory_space<vmem>>, vector<1x16xf32>,
      %parallel_loop3A_363 = vector.shape_cast %parallel_loop3A_362 : vector<1x16xf32> to vector<16xf32>
      %parallel_loop3A_364 = arith.constant 64 : i32
      %parallel_loop3A_365 = arith.addi %parallel_loop3A_364, %parallel_loop3A_293 : i32
      %parallel_loop3A_366 = arith.index_cast %parallel_loop3A_365 : i32 to index
      %parallel_loop3A_367 = arith.constant 96 : index
      %parallel_loop3A_368 = tpu.vector_load %arg7[%parallel_loop3A_366, %parallel_loop3A_367] {strides = array<i32>} : memref<256x128xf32, #tpu.memory_space<vmem>>, vector<1x16xf32>,
      %parallel_loop3A_369 = vector.shape_cast %parallel_loop3A_368 : vector<1x16xf32> to vector<16xf32>
      %parallel_loop3A_370 = vector.shape_cast %parallel_loop3A_363 : vector<16xf32> to vector<1x16xf32>
      tpu.vector_store %arg7[%parallel_loop3A_366, %parallel_loop3A_367], %parallel_loop3A_370 {strides = array<i32>} : memref<256x128xf32, #tpu.memory_space<vmem>>, vector<1x16xf32>,
      %parallel_loop3A_371 = arith.index_cast %parallel_loop3A_293 : i32 to index
      %parallel_loop3A_372 = arith.constant 112 : index
      %parallel_loop3A_373 = tpu.vector_load %arg7[%parallel_loop3A_371, %parallel_loop3A_372] {strides = array<i32>} : memref<256x128xf32, #tpu.memory_space<vmem>>, vector<1x16xf32>,
      %parallel_loop3A_374 = vector.shape_cast %parallel_loop3A_373 : vector<1x16xf32> to vector<16xf32>
      %parallel_loop3A_375 = arith.constant 64 : i32
      %parallel_loop3A_376 = arith.addi %parallel_loop3A_375, %parallel_loop3A_293 : i32
      %parallel_loop3A_377 = arith.index_cast %parallel_loop3A_376 : i32 to index
      %parallel_loop3A_378 = arith.constant 112 : index
      %parallel_loop3A_379 = tpu.vector_load %arg7[%parallel_loop3A_377, %parallel_loop3A_378] {strides = array<i32>} : memref<256x128xf32, #tpu.memory_space<vmem>>, vector<1x16xf32>,
      %parallel_loop3A_380 = vector.shape_cast %parallel_loop3A_379 : vector<1x16xf32> to vector<16xf32>
      %parallel_loop3A_381 = vector.shape_cast %parallel_loop3A_374 : vector<16xf32> to vector<1x16xf32>
      tpu.vector_store %arg7[%parallel_loop3A_377, %parallel_loop3A_378], %parallel_loop3A_381 {strides = array<i32>} : memref<256x128xf32, #tpu.memory_space<vmem>>, vector<1x16xf32>,
    } {sc.loop_unroll_factor = 2 : i64, sc.parallel_access}
    %dma_wait3A_71 = arith.constant 1 : i32
    %dma_wait3A_72 = arith.constant 1 : i32
    %dma_wait3A_73 = arith.constant 0 : i32
    %dma_wait3A_74 = tpu.memref_slice %arg6[%dma_wait3A_72, %dma_wait3A_73] : memref<4x64xi32, #tpu.memory_space<vmem>> -> memref<1x64xi32, #tpu.memory_space<vmem>>
    %dma_wait3A_75 = tpu.memref_squeeze %dma_wait3A_74 : memref<1x64xi32, #tpu.memory_space<vmem>> -> memref<64xi32, #tpu.memory_space<vmem>>
    %dma_wait3A_76 = tpu.memref_slice %arg2[%dma_wait3A_71, %mul3A_2] : memref<4x2048xi32, #tpu.memory_space<hbm>> -> memref<1x64xi32, #tpu.memory_space<hbm>>
    %dma_wait3A_77 = tpu.memref_squeeze %dma_wait3A_76 : memref<1x64xi32, #tpu.memory_space<hbm>> -> memref<64xi32, #tpu.memory_space<hbm>>
    %dma_wait3A_78 = arith.constant 0 : i32
    %dma_wait3A_79 = tpu.memref_slice %arg6[%dma_wait3A_72, %dma_wait3A_78] : memref<4x64xi32, #tpu.memory_space<vmem>> -> memref<1x64xi32, #tpu.memory_space<vmem>>
    %dma_wait3A_80 = tpu.memref_squeeze %dma_wait3A_79 : memref<1x64xi32, #tpu.memory_space<vmem>> -> memref<64xi32, #tpu.memory_space<vmem>>
    %dma_wait3A_81 = tpu.memref_slice %arg2[%dma_wait3A_71, %mul3A_2] : memref<4x2048xi32, #tpu.memory_space<hbm>> -> memref<1x64xi32, #tpu.memory_space<hbm>>
    %dma_wait3A_82 = tpu.memref_squeeze %dma_wait3A_81 : memref<1x64xi32, #tpu.memory_space<hbm>> -> memref<64xi32, #tpu.memory_space<hbm>>
    tpu.wait_dma2 semaphore(%arg9 : memref<!tpu.dma_semaphore, #tpu.memory_space<semaphore_mem>>) src(%dma_wait3A_82 : memref<64xi32, #tpu.memory_space<hbm>>) dst(%dma_wait3A_80 : memref<64xi32, #tpu.memory_space<vmem>>)
    %dma_start3A_83 = arith.constant 1 : i32
    %dma_start3A_84 = arith.constant 64 : i32
    %dma_start3A_85 = arith.constant 0 : i32
    %dma_start3A_86 = tpu.memref_slice %arg7[%dma_start3A_84, %dma_start3A_85] : memref<256x128xf32, #tpu.memory_space<vmem>> -> memref<64x128xf32, #tpu.memory_space<vmem>>
    %dma_start3A_87 = arith.constant 0 : i32
    %dma_start3A_88 = tpu.memref_slice %arg6[%dma_start3A_83, %dma_start3A_87] : memref<4x64xi32, #tpu.memory_space<vmem>> -> memref<1x64xi32, #tpu.memory_space<vmem>>
    %dma_start3A_89 = tpu.memref_squeeze %dma_start3A_88 : memref<1x64xi32, #tpu.memory_space<vmem>> -> memref<64xi32, #tpu.memory_space<vmem>>
    %dma_start3A_90 = arith.constant 0 : i32
    %dma_start3A_91 = arith.constant 0 : i32
    %dma_start3A_92 = tpu.memref_slice %arg3[%dma_start3A_90, %dma_start3A_91] : memref<100000x128xf32, #tpu.memory_space<hbm>> -> memref<100000x128xf32, #tpu.memory_space<hbm>>
    tpu.enqueue_indirect_dma source(%dma_start3A_92 : memref<100000x128xf32, #tpu.memory_space<hbm>>) target(%dma_start3A_86 : memref<64x128xf32, #tpu.memory_space<vmem>>) offsets(%dma_start3A_89 : memref<64xi32, #tpu.memory_space<vmem>>) semaphore(%arg9 : memref<!tpu.dma_semaphore, #tpu.memory_space<semaphore_mem>>) {add = true}
    %parallel_loop3A_93 = arith.constant 0 : i32
    %parallel_loop3A_94 = arith.constant 64 : i32
    %parallel_loop3A_95 = arith.constant 1 : i32
    scf.for %parallel_loop3A_293 = %parallel_loop3A_93 to %parallel_loop3A_94 step %parallel_loop3A_95  : i32 {
      %parallel_loop3A_294 = arith.index_cast %parallel_loop3A_293 : i32 to index
      %parallel_loop3A_295 = arith.constant 0 : index
      %parallel_loop3A_296 = tpu.vector_load %arg7[%parallel_loop3A_294, %parallel_loop3A_295] {strides = array<i32>} : memref<256x128xf32, #tpu.memory_space<vmem>>, vector<1x16xf32>,
      %parallel_loop3A_297 = vector.shape_cast %parallel_loop3A_296 : vector<1x16xf32> to vector<16xf32>
      %parallel_loop3A_298 = arith.constant 128 : i32
      %parallel_loop3A_299 = arith.addi %parallel_loop3A_298, %parallel_loop3A_293 : i32
      %parallel_loop3A_300 = arith.index_cast %parallel_loop3A_299 : i32 to index
      %parallel_loop3A_301 = arith.constant 0 : index
      %parallel_loop3A_302 = tpu.vector_load %arg7[%parallel_loop3A_300, %parallel_loop3A_301] {strides = array<i32>} : memref<256x128xf32, #tpu.memory_space<vmem>>, vector<1x16xf32>,
      %parallel_loop3A_303 = vector.shape_cast %parallel_loop3A_302 : vector<1x16xf32> to vector<16xf32>
      %parallel_loop3A_304 = vector.shape_cast %parallel_loop3A_297 : vector<16xf32> to vector<1x16xf32>
      tpu.vector_store %arg7[%parallel_loop3A_300, %parallel_loop3A_301], %parallel_loop3A_304 {strides = array<i32>} : memref<256x128xf32, #tpu.memory_space<vmem>>, vector<1x16xf32>,
      %parallel_loop3A_305 = arith.index_cast %parallel_loop3A_293 : i32 to index
      %parallel_loop3A_306 = arith.constant 16 : index
      %parallel_loop3A_307 = tpu.vector_load %arg7[%parallel_loop3A_305, %parallel_loop3A_306] {strides = array<i32>} : memref<256x128xf32, #tpu.memory_space<vmem>>, vector<1x16xf32>,
      %parallel_loop3A_308 = vector.shape_cast %parallel_loop3A_307 : vector<1x16xf32> to vector<16xf32>
      %parallel_loop3A_309 = arith.constant 128 : i32
      %parallel_loop3A_310 = arith.addi %parallel_loop3A_309, %parallel_loop3A_293 : i32
      %parallel_loop3A_311 = arith.index_cast %parallel_loop3A_310 : i32 to index
      %parallel_loop3A_312 = arith.constant 16 : index
      %parallel_loop3A_313 = tpu.vector_load %arg7[%parallel_loop3A_311, %parallel_loop3A_312] {strides = array<i32>} : memref<256x128xf32, #tpu.memory_space<vmem>>, vector<1x16xf32>,
      %parallel_loop3A_314 = vector.shape_cast %parallel_loop3A_313 : vector<1x16xf32> to vector<16xf32>
      %parallel_loop3A_315 = vector.shape_cast %parallel_loop3A_308 : vector<16xf32> to vector<1x16xf32>
      tpu.vector_store %arg7[%parallel_loop3A_311, %parallel_loop3A_312], %parallel_loop3A_315 {strides = array<i32>} : memref<256x128xf32, #tpu.memory_space<vmem>>, vector<1x16xf32>,
      %parallel_loop3A_316 = arith.index_cast %parallel_loop3A_293 : i32 to index
      %parallel_loop3A_317 = arith.constant 32 : index
      %parallel_loop3A_318 = tpu.vector_load %arg7[%parallel_loop3A_316, %parallel_loop3A_317] {strides = array<i32>} : memref<256x128xf32, #tpu.memory_space<vmem>>, vector<1x16xf32>,
      %parallel_loop3A_319 = vector.shape_cast %parallel_loop3A_318 : vector<1x16xf32> to vector<16xf32>
      %parallel_loop3A_320 = arith.constant 128 : i32
      %parallel_loop3A_321 = arith.addi %parallel_loop3A_320, %parallel_loop3A_293 : i32
      %parallel_loop3A_322 = arith.index_cast %parallel_loop3A_321 : i32 to index
      %parallel_loop3A_323 = arith.constant 32 : index
      %parallel_loop3A_324 = tpu.vector_load %arg7[%parallel_loop3A_322, %parallel_loop3A_323] {strides = array<i32>} : memref<256x128xf32, #tpu.memory_space<vmem>>, vector<1x16xf32>,
      %parallel_loop3A_325 = vector.shape_cast %parallel_loop3A_324 : vector<1x16xf32> to vector<16xf32>
      %parallel_loop3A_326 = vector.shape_cast %parallel_loop3A_319 : vector<16xf32> to vector<1x16xf32>
      tpu.vector_store %arg7[%parallel_loop3A_322, %parallel_loop3A_323], %parallel_loop3A_326 {strides = array<i32>} : memref<256x128xf32, #tpu.memory_space<vmem>>, vector<1x16xf32>,
      %parallel_loop3A_327 = arith.index_cast %parallel_loop3A_293 : i32 to index
      %parallel_loop3A_328 = arith.constant 48 : index
      %parallel_loop3A_329 = tpu.vector_load %arg7[%parallel_loop3A_327, %parallel_loop3A_328] {strides = array<i32>} : memref<256x128xf32, #tpu.memory_space<vmem>>, vector<1x16xf32>,
      %parallel_loop3A_330 = vector.shape_cast %parallel_loop3A_329 : vector<1x16xf32> to vector<16xf32>
      %parallel_loop3A_331 = arith.constant 128 : i32
      %parallel_loop3A_332 = arith.addi %parallel_loop3A_331, %parallel_loop3A_293 : i32
      %parallel_loop3A_333 = arith.index_cast %parallel_loop3A_332 : i32 to index
      %parallel_loop3A_334 = arith.constant 48 : index
      %parallel_loop3A_335 = tpu.vector_load %arg7[%parallel_loop3A_333, %parallel_loop3A_334] {strides = array<i32>} : memref<256x128xf32, #tpu.memory_space<vmem>>, vector<1x16xf32>,
      %parallel_loop3A_336 = vector.shape_cast %parallel_loop3A_335 : vector<1x16xf32> to vector<16xf32>
      %parallel_loop3A_337 = vector.shape_cast %parallel_loop3A_330 : vector<16xf32> to vector<1x16xf32>
      tpu.vector_store %arg7[%parallel_loop3A_333, %parallel_loop3A_334], %parallel_loop3A_337 {strides = array<i32>} : memref<256x128xf32, #tpu.memory_space<vmem>>, vector<1x16xf32>,
      %parallel_loop3A_338 = arith.index_cast %parallel_loop3A_293 : i32 to index
      %parallel_loop3A_339 = arith.constant 64 : index
      %parallel_loop3A_340 = tpu.vector_load %arg7[%parallel_loop3A_338, %parallel_loop3A_339] {strides = array<i32>} : memref<256x128xf32, #tpu.memory_space<vmem>>, vector<1x16xf32>,
      %parallel_loop3A_341 = vector.shape_cast %parallel_loop3A_340 : vector<1x16xf32> to vector<16xf32>
      %parallel_loop3A_342 = arith.constant 128 : i32
      %parallel_loop3A_343 = arith.addi %parallel_loop3A_342, %parallel_loop3A_293 : i32
      %parallel_loop3A_344 = arith.index_cast %parallel_loop3A_343 : i32 to index
      %parallel_loop3A_345 = arith.constant 64 : index
      %parallel_loop3A_346 = tpu.vector_load %arg7[%parallel_loop3A_344, %parallel_loop3A_345] {strides = array<i32>} : memref<256x128xf32, #tpu.memory_space<vmem>>, vector<1x16xf32>,
      %parallel_loop3A_347 = vector.shape_cast %parallel_loop3A_346 : vector<1x16xf32> to vector<16xf32>
      %parallel_loop3A_348 = vector.shape_cast %parallel_loop3A_341 : vector<16xf32> to vector<1x16xf32>
      tpu.vector_store %arg7[%parallel_loop3A_344, %parallel_loop3A_345], %parallel_loop3A_348 {strides = array<i32>} : memref<256x128xf32, #tpu.memory_space<vmem>>, vector<1x16xf32>,
      %parallel_loop3A_349 = arith.index_cast %parallel_loop3A_293 : i32 to index
      %parallel_loop3A_350 = arith.constant 80 : index
      %parallel_loop3A_351 = tpu.vector_load %arg7[%parallel_loop3A_349, %parallel_loop3A_350] {strides = array<i32>} : memref<256x128xf32, #tpu.memory_space<vmem>>, vector<1x16xf32>,
      %parallel_loop3A_352 = vector.shape_cast %parallel_loop3A_351 : vector<1x16xf32> to vector<16xf32>
      %parallel_loop3A_353 = arith.constant 128 : i32
      %parallel_loop3A_354 = arith.addi %parallel_loop3A_353, %parallel_loop3A_293 : i32
      %parallel_loop3A_355 = arith.index_cast %parallel_loop3A_354 : i32 to index
      %parallel_loop3A_356 = arith.constant 80 : index
      %parallel_loop3A_357 = tpu.vector_load %arg7[%parallel_loop3A_355, %parallel_loop3A_356] {strides = array<i32>} : memref<256x128xf32, #tpu.memory_space<vmem>>, vector<1x16xf32>,
      %parallel_loop3A_358 = vector.shape_cast %parallel_loop3A_357 : vector<1x16xf32> to vector<16xf32>
      %parallel_loop3A_359 = vector.shape_cast %parallel_loop3A_352 : vector<16xf32> to vector<1x16xf32>
      tpu.vector_store %arg7[%parallel_loop3A_355, %parallel_loop3A_356], %parallel_loop3A_359 {strides = array<i32>} : memref<256x128xf32, #tpu.memory_space<vmem>>, vector<1x16xf32>,
      %parallel_loop3A_360 = arith.index_cast %parallel_loop3A_293 : i32 to index
      %parallel_loop3A_361 = arith.constant 96 : index
      %parallel_loop3A_362 = tpu.vector_load %arg7[%parallel_loop3A_360, %parallel_loop3A_361] {strides = array<i32>} : memref<256x128xf32, #tpu.memory_space<vmem>>, vector<1x16xf32>,
      %parallel_loop3A_363 = vector.shape_cast %parallel_loop3A_362 : vector<1x16xf32> to vector<16xf32>
      %parallel_loop3A_364 = arith.constant 128 : i32
      %parallel_loop3A_365 = arith.addi %parallel_loop3A_364, %parallel_loop3A_293 : i32
      %parallel_loop3A_366 = arith.index_cast %parallel_loop3A_365 : i32 to index
      %parallel_loop3A_367 = arith.constant 96 : index
      %parallel_loop3A_368 = tpu.vector_load %arg7[%parallel_loop3A_366, %parallel_loop3A_367] {strides = array<i32>} : memref<256x128xf32, #tpu.memory_space<vmem>>, vector<1x16xf32>,
      %parallel_loop3A_369 = vector.shape_cast %parallel_loop3A_368 : vector<1x16xf32> to vector<16xf32>
      %parallel_loop3A_370 = vector.shape_cast %parallel_loop3A_363 : vector<16xf32> to vector<1x16xf32>
      tpu.vector_store %arg7[%parallel_loop3A_366, %parallel_loop3A_367], %parallel_loop3A_370 {strides = array<i32>} : memref<256x128xf32, #tpu.memory_space<vmem>>, vector<1x16xf32>,
      %parallel_loop3A_371 = arith.index_cast %parallel_loop3A_293 : i32 to index
      %parallel_loop3A_372 = arith.constant 112 : index
      %parallel_loop3A_373 = tpu.vector_load %arg7[%parallel_loop3A_371, %parallel_loop3A_372] {strides = array<i32>} : memref<256x128xf32, #tpu.memory_space<vmem>>, vector<1x16xf32>,
      %parallel_loop3A_374 = vector.shape_cast %parallel_loop3A_373 : vector<1x16xf32> to vector<16xf32>
      %parallel_loop3A_375 = arith.constant 128 : i32
      %parallel_loop3A_376 = arith.addi %parallel_loop3A_375, %parallel_loop3A_293 : i32
      %parallel_loop3A_377 = arith.index_cast %parallel_loop3A_376 : i32 to index
      %parallel_loop3A_378 = arith.constant 112 : index
      %parallel_loop3A_379 = tpu.vector_load %arg7[%parallel_loop3A_377, %parallel_loop3A_378] {strides = array<i32>} : memref<256x128xf32, #tpu.memory_space<vmem>>, vector<1x16xf32>,
      %parallel_loop3A_380 = vector.shape_cast %parallel_loop3A_379 : vector<1x16xf32> to vector<16xf32>
      %parallel_loop3A_381 = vector.shape_cast %parallel_loop3A_374 : vector<16xf32> to vector<1x16xf32>
      tpu.vector_store %arg7[%parallel_loop3A_377, %parallel_loop3A_378], %parallel_loop3A_381 {strides = array<i32>} : memref<256x128xf32, #tpu.memory_space<vmem>>, vector<1x16xf32>,
    } {sc.loop_unroll_factor = 2 : i64, sc.parallel_access}
    %dma_wait3A_96 = arith.constant 2 : i32
    %dma_wait3A_97 = arith.constant 2 : i32
    %dma_wait3A_98 = arith.constant 0 : i32
    %dma_wait3A_99 = tpu.memref_slice %arg6[%dma_wait3A_97, %dma_wait3A_98] : memref<4x64xi32, #tpu.memory_space<vmem>> -> memref<1x64xi32, #tpu.memory_space<vmem>>
    %dma_wait3A_100 = tpu.memref_squeeze %dma_wait3A_99 : memref<1x64xi32, #tpu.memory_space<vmem>> -> memref<64xi32, #tpu.memory_space<vmem>>
    %dma_wait3A_101 = tpu.memref_slice %arg2[%dma_wait3A_96, %mul3A_2] : memref<4x2048xi32, #tpu.memory_space<hbm>> -> memref<1x64xi32, #tpu.memory_space<hbm>>
    %dma_wait3A_102 = tpu.memref_squeeze %dma_wait3A_101 : memref<1x64xi32, #tpu.memory_space<hbm>> -> memref<64xi32, #tpu.memory_space<hbm>>
    %dma_wait3A_103 = arith.constant 0 : i32
    %dma_wait3A_104 = tpu.memref_slice %arg6[%dma_wait3A_97, %dma_wait3A_103] : memref<4x64xi32, #tpu.memory_space<vmem>> -> memref<1x64xi32, #tpu.memory_space<vmem>>
    %dma_wait3A_105 = tpu.memref_squeeze %dma_wait3A_104 : memref<1x64xi32, #tpu.memory_space<vmem>> -> memref<64xi32, #tpu.memory_space<vmem>>
    %dma_wait3A_106 = tpu.memref_slice %arg2[%dma_wait3A_96, %mul3A_2] : memref<4x2048xi32, #tpu.memory_space<hbm>> -> memref<1x64xi32, #tpu.memory_space<hbm>>
    %dma_wait3A_107 = tpu.memref_squeeze %dma_wait3A_106 : memref<1x64xi32, #tpu.memory_space<hbm>> -> memref<64xi32, #tpu.memory_space<hbm>>
    tpu.wait_dma2 semaphore(%arg10 : memref<!tpu.dma_semaphore, #tpu.memory_space<semaphore_mem>>) src(%dma_wait3A_107 : memref<64xi32, #tpu.memory_space<hbm>>) dst(%dma_wait3A_105 : memref<64xi32, #tpu.memory_space<vmem>>)
    %dma_start3A_108 = arith.constant 2 : i32
    %dma_start3A_109 = arith.constant 128 : i32
    %dma_start3A_110 = arith.constant 0 : i32
    %dma_start3A_111 = tpu.memref_slice %arg7[%dma_start3A_109, %dma_start3A_110] : memref<256x128xf32, #tpu.memory_space<vmem>> -> memref<64x128xf32, #tpu.memory_space<vmem>>
    %dma_start3A_112 = arith.constant 0 : i32
    %dma_start3A_113 = tpu.memref_slice %arg6[%dma_start3A_108, %dma_start3A_112] : memref<4x64xi32, #tpu.memory_space<vmem>> -> memref<1x64xi32, #tpu.memory_space<vmem>>
    %dma_start3A_114 = tpu.memref_squeeze %dma_start3A_113 : memref<1x64xi32, #tpu.memory_space<vmem>> -> memref<64xi32, #tpu.memory_space<vmem>>
    %dma_start3A_115 = arith.constant 0 : i32
    %dma_start3A_116 = arith.constant 0 : i32
    %dma_start3A_117 = tpu.memref_slice %arg3[%dma_start3A_115, %dma_start3A_116] : memref<100000x128xf32, #tpu.memory_space<hbm>> -> memref<100000x128xf32, #tpu.memory_space<hbm>>
    tpu.enqueue_indirect_dma source(%dma_start3A_117 : memref<100000x128xf32, #tpu.memory_space<hbm>>) target(%dma_start3A_111 : memref<64x128xf32, #tpu.memory_space<vmem>>) offsets(%dma_start3A_114 : memref<64xi32, #tpu.memory_space<vmem>>) semaphore(%arg10 : memref<!tpu.dma_semaphore, #tpu.memory_space<semaphore_mem>>) {add = true}
    %parallel_loop3A_118 = arith.constant 0 : i32
    %parallel_loop3A_119 = arith.constant 64 : i32
    %parallel_loop3A_120 = arith.constant 1 : i32
    scf.for %parallel_loop3A_293 = %parallel_loop3A_118 to %parallel_loop3A_119 step %parallel_loop3A_120  : i32 {
      %parallel_loop3A_294 = arith.index_cast %parallel_loop3A_293 : i32 to index
      %parallel_loop3A_295 = arith.constant 0 : index
      %parallel_loop3A_296 = tpu.vector_load %arg7[%parallel_loop3A_294, %parallel_loop3A_295] {strides = array<i32>} : memref<256x128xf32, #tpu.memory_space<vmem>>, vector<1x16xf32>,
      %parallel_loop3A_297 = vector.shape_cast %parallel_loop3A_296 : vector<1x16xf32> to vector<16xf32>
      %parallel_loop3A_298 = arith.constant 192 : i32
      %parallel_loop3A_299 = arith.addi %parallel_loop3A_298, %parallel_loop3A_293 : i32
      %parallel_loop3A_300 = arith.index_cast %parallel_loop3A_299 : i32 to index
      %parallel_loop3A_301 = arith.constant 0 : index
      %parallel_loop3A_302 = tpu.vector_load %arg7[%parallel_loop3A_300, %parallel_loop3A_301] {strides = array<i32>} : memref<256x128xf32, #tpu.memory_space<vmem>>, vector<1x16xf32>,
      %parallel_loop3A_303 = vector.shape_cast %parallel_loop3A_302 : vector<1x16xf32> to vector<16xf32>
      %parallel_loop3A_304 = vector.shape_cast %parallel_loop3A_297 : vector<16xf32> to vector<1x16xf32>
      tpu.vector_store %arg7[%parallel_loop3A_300, %parallel_loop3A_301], %parallel_loop3A_304 {strides = array<i32>} : memref<256x128xf32, #tpu.memory_space<vmem>>, vector<1x16xf32>,
      %parallel_loop3A_305 = arith.index_cast %parallel_loop3A_293 : i32 to index
      %parallel_loop3A_306 = arith.constant 16 : index
      %parallel_loop3A_307 = tpu.vector_load %arg7[%parallel_loop3A_305, %parallel_loop3A_306] {strides = array<i32>} : memref<256x128xf32, #tpu.memory_space<vmem>>, vector<1x16xf32>,
      %parallel_loop3A_308 = vector.shape_cast %parallel_loop3A_307 : vector<1x16xf32> to vector<16xf32>
      %parallel_loop3A_309 = arith.constant 192 : i32
      %parallel_loop3A_310 = arith.addi %parallel_loop3A_309, %parallel_loop3A_293 : i32
      %parallel_loop3A_311 = arith.index_cast %parallel_loop3A_310 : i32 to index
      %parallel_loop3A_312 = arith.constant 16 : index
      %parallel_loop3A_313 = tpu.vector_load %arg7[%parallel_loop3A_311, %parallel_loop3A_312] {strides = array<i32>} : memref<256x128xf32, #tpu.memory_space<vmem>>, vector<1x16xf32>,
      %parallel_loop3A_314 = vector.shape_cast %parallel_loop3A_313 : vector<1x16xf32> to vector<16xf32>
      %parallel_loop3A_315 = vector.shape_cast %parallel_loop3A_308 : vector<16xf32> to vector<1x16xf32>
      tpu.vector_store %arg7[%parallel_loop3A_311, %parallel_loop3A_312], %parallel_loop3A_315 {strides = array<i32>} : memref<256x128xf32, #tpu.memory_space<vmem>>, vector<1x16xf32>,
      %parallel_loop3A_316 = arith.index_cast %parallel_loop3A_293 : i32 to index
      %parallel_loop3A_317 = arith.constant 32 : index
      %parallel_loop3A_318 = tpu.vector_load %arg7[%parallel_loop3A_316, %parallel_loop3A_317] {strides = array<i32>} : memref<256x128xf32, #tpu.memory_space<vmem>>, vector<1x16xf32>,
      %parallel_loop3A_319 = vector.shape_cast %parallel_loop3A_318 : vector<1x16xf32> to vector<16xf32>
      %parallel_loop3A_320 = arith.constant 192 : i32
      %parallel_loop3A_321 = arith.addi %parallel_loop3A_320, %parallel_loop3A_293 : i32
      %parallel_loop3A_322 = arith.index_cast %parallel_loop3A_321 : i32 to index
      %parallel_loop3A_323 = arith.constant 32 : index
      %parallel_loop3A_324 = tpu.vector_load %arg7[%parallel_loop3A_322, %parallel_loop3A_323] {strides = array<i32>} : memref<256x128xf32, #tpu.memory_space<vmem>>, vector<1x16xf32>,
      %parallel_loop3A_325 = vector.shape_cast %parallel_loop3A_324 : vector<1x16xf32> to vector<16xf32>
      %parallel_loop3A_326 = vector.shape_cast %parallel_loop3A_319 : vector<16xf32> to vector<1x16xf32>
      tpu.vector_store %arg7[%parallel_loop3A_322, %parallel_loop3A_323], %parallel_loop3A_326 {strides = array<i32>} : memref<256x128xf32, #tpu.memory_space<vmem>>, vector<1x16xf32>,
      %parallel_loop3A_327 = arith.index_cast %parallel_loop3A_293 : i32 to index
      %parallel_loop3A_328 = arith.constant 48 : index
      %parallel_loop3A_329 = tpu.vector_load %arg7[%parallel_loop3A_327, %parallel_loop3A_328] {strides = array<i32>} : memref<256x128xf32, #tpu.memory_space<vmem>>, vector<1x16xf32>,
      %parallel_loop3A_330 = vector.shape_cast %parallel_loop3A_329 : vector<1x16xf32> to vector<16xf32>
      %parallel_loop3A_331 = arith.constant 192 : i32
      %parallel_loop3A_332 = arith.addi %parallel_loop3A_331, %parallel_loop3A_293 : i32
      %parallel_loop3A_333 = arith.index_cast %parallel_loop3A_332 : i32 to index
      %parallel_loop3A_334 = arith.constant 48 : index
      %parallel_loop3A_335 = tpu.vector_load %arg7[%parallel_loop3A_333, %parallel_loop3A_334] {strides = array<i32>} : memref<256x128xf32, #tpu.memory_space<vmem>>, vector<1x16xf32>,
      %parallel_loop3A_336 = vector.shape_cast %parallel_loop3A_335 : vector<1x16xf32> to vector<16xf32>
      %parallel_loop3A_337 = vector.shape_cast %parallel_loop3A_330 : vector<16xf32> to vector<1x16xf32>
      tpu.vector_store %arg7[%parallel_loop3A_333, %parallel_loop3A_334], %parallel_loop3A_337 {strides = array<i32>} : memref<256x128xf32, #tpu.memory_space<vmem>>, vector<1x16xf32>,
      %parallel_loop3A_338 = arith.index_cast %parallel_loop3A_293 : i32 to index
      %parallel_loop3A_339 = arith.constant 64 : index
      %parallel_loop3A_340 = tpu.vector_load %arg7[%parallel_loop3A_338, %parallel_loop3A_339] {strides = array<i32>} : memref<256x128xf32, #tpu.memory_space<vmem>>, vector<1x16xf32>,
      %parallel_loop3A_341 = vector.shape_cast %parallel_loop3A_340 : vector<1x16xf32> to vector<16xf32>
      %parallel_loop3A_342 = arith.constant 192 : i32
      %parallel_loop3A_343 = arith.addi %parallel_loop3A_342, %parallel_loop3A_293 : i32
      %parallel_loop3A_344 = arith.index_cast %parallel_loop3A_343 : i32 to index
      %parallel_loop3A_345 = arith.constant 64 : index
      %parallel_loop3A_346 = tpu.vector_load %arg7[%parallel_loop3A_344, %parallel_loop3A_345] {strides = array<i32>} : memref<256x128xf32, #tpu.memory_space<vmem>>, vector<1x16xf32>,
      %parallel_loop3A_347 = vector.shape_cast %parallel_loop3A_346 : vector<1x16xf32> to vector<16xf32>
      %parallel_loop3A_348 = vector.shape_cast %parallel_loop3A_341 : vector<16xf32> to vector<1x16xf32>
      tpu.vector_store %arg7[%parallel_loop3A_344, %parallel_loop3A_345], %parallel_loop3A_348 {strides = array<i32>} : memref<256x128xf32, #tpu.memory_space<vmem>>, vector<1x16xf32>,
      %parallel_loop3A_349 = arith.index_cast %parallel_loop3A_293 : i32 to index
      %parallel_loop3A_350 = arith.constant 80 : index
      %parallel_loop3A_351 = tpu.vector_load %arg7[%parallel_loop3A_349, %parallel_loop3A_350] {strides = array<i32>} : memref<256x128xf32, #tpu.memory_space<vmem>>, vector<1x16xf32>,
      %parallel_loop3A_352 = vector.shape_cast %parallel_loop3A_351 : vector<1x16xf32> to vector<16xf32>
      %parallel_loop3A_353 = arith.constant 192 : i32
      %parallel_loop3A_354 = arith.addi %parallel_loop3A_353, %parallel_loop3A_293 : i32
      %parallel_loop3A_355 = arith.index_cast %parallel_loop3A_354 : i32 to index
      %parallel_loop3A_356 = arith.constant 80 : index
      %parallel_loop3A_357 = tpu.vector_load %arg7[%parallel_loop3A_355, %parallel_loop3A_356] {strides = array<i32>} : memref<256x128xf32, #tpu.memory_space<vmem>>, vector<1x16xf32>,
      %parallel_loop3A_358 = vector.shape_cast %parallel_loop3A_357 : vector<1x16xf32> to vector<16xf32>
      %parallel_loop3A_359 = vector.shape_cast %parallel_loop3A_352 : vector<16xf32> to vector<1x16xf32>
      tpu.vector_store %arg7[%parallel_loop3A_355, %parallel_loop3A_356], %parallel_loop3A_359 {strides = array<i32>} : memref<256x128xf32, #tpu.memory_space<vmem>>, vector<1x16xf32>,
      %parallel_loop3A_360 = arith.index_cast %parallel_loop3A_293 : i32 to index
      %parallel_loop3A_361 = arith.constant 96 : index
      %parallel_loop3A_362 = tpu.vector_load %arg7[%parallel_loop3A_360, %parallel_loop3A_361] {strides = array<i32>} : memref<256x128xf32, #tpu.memory_space<vmem>>, vector<1x16xf32>,
      %parallel_loop3A_363 = vector.shape_cast %parallel_loop3A_362 : vector<1x16xf32> to vector<16xf32>
      %parallel_loop3A_364 = arith.constant 192 : i32
      %parallel_loop3A_365 = arith.addi %parallel_loop3A_364, %parallel_loop3A_293 : i32
      %parallel_loop3A_366 = arith.index_cast %parallel_loop3A_365 : i32 to index
      %parallel_loop3A_367 = arith.constant 96 : index
      %parallel_loop3A_368 = tpu.vector_load %arg7[%parallel_loop3A_366, %parallel_loop3A_367] {strides = array<i32>} : memref<256x128xf32, #tpu.memory_space<vmem>>, vector<1x16xf32>,
      %parallel_loop3A_369 = vector.shape_cast %parallel_loop3A_368 : vector<1x16xf32> to vector<16xf32>
      %parallel_loop3A_370 = vector.shape_cast %parallel_loop3A_363 : vector<16xf32> to vector<1x16xf32>
      tpu.vector_store %arg7[%parallel_loop3A_366, %parallel_loop3A_367], %parallel_loop3A_370 {strides = array<i32>} : memref<256x128xf32, #tpu.memory_space<vmem>>, vector<1x16xf32>,
      %parallel_loop3A_371 = arith.index_cast %parallel_loop3A_293 : i32 to index
      %parallel_loop3A_372 = arith.constant 112 : index
      %parallel_loop3A_373 = tpu.vector_load %arg7[%parallel_loop3A_371, %parallel_loop3A_372] {strides = array<i32>} : memref<256x128xf32, #tpu.memory_space<vmem>>, vector<1x16xf32>,
      %parallel_loop3A_374 = vector.shape_cast %parallel_loop3A_373 : vector<1x16xf32> to vector<16xf32>
      %parallel_loop3A_375 = arith.constant 192 : i32
      %parallel_loop3A_376 = arith.addi %parallel_loop3A_375, %parallel_loop3A_293 : i32
      %parallel_loop3A_377 = arith.index_cast %parallel_loop3A_376 : i32 to index
      %parallel_loop3A_378 = arith.constant 112 : index
      %parallel_loop3A_379 = tpu.vector_load %arg7[%parallel_loop3A_377, %parallel_loop3A_378] {strides = array<i32>} : memref<256x128xf32, #tpu.memory_space<vmem>>, vector<1x16xf32>,
      %parallel_loop3A_380 = vector.shape_cast %parallel_loop3A_379 : vector<1x16xf32> to vector<16xf32>
      %parallel_loop3A_381 = vector.shape_cast %parallel_loop3A_374 : vector<16xf32> to vector<1x16xf32>
      tpu.vector_store %arg7[%parallel_loop3A_377, %parallel_loop3A_378], %parallel_loop3A_381 {strides = array<i32>} : memref<256x128xf32, #tpu.memory_space<vmem>>, vector<1x16xf32>,
    } {sc.loop_unroll_factor = 2 : i64, sc.parallel_access}
    %dma_wait3A_121 = arith.constant 3 : i32
    %dma_wait3A_122 = arith.constant 3 : i32
    %dma_wait3A_123 = arith.constant 0 : i32
    %dma_wait3A_124 = tpu.memref_slice %arg6[%dma_wait3A_122, %dma_wait3A_123] : memref<4x64xi32, #tpu.memory_space<vmem>> -> memref<1x64xi32, #tpu.memory_space<vmem>>
    %dma_wait3A_125 = tpu.memref_squeeze %dma_wait3A_124 : memref<1x64xi32, #tpu.memory_space<vmem>> -> memref<64xi32, #tpu.memory_space<vmem>>
    %dma_wait3A_126 = tpu.memref_slice %arg2[%dma_wait3A_121, %mul3A_2] : memref<4x2048xi32, #tpu.memory_space<hbm>> -> memref<1x64xi32, #tpu.memory_space<hbm>>
    %dma_wait3A_127 = tpu.memref_squeeze %dma_wait3A_126 : memref<1x64xi32, #tpu.memory_space<hbm>> -> memref<64xi32, #tpu.memory_space<hbm>>
    %dma_wait3A_128 = arith.constant 0 : i32
    %dma_wait3A_129 = tpu.memref_slice %arg6[%dma_wait3A_122, %dma_wait3A_128] : memref<4x64xi32, #tpu.memory_space<vmem>> -> memref<1x64xi32, #tpu.memory_space<vmem>>
    %dma_wait3A_130 = tpu.memref_squeeze %dma_wait3A_129 : memref<1x64xi32, #tpu.memory_space<vmem>> -> memref<64xi32, #tpu.memory_space<vmem>>
    %dma_wait3A_131 = tpu.memref_slice %arg2[%dma_wait3A_121, %mul3A_2] : memref<4x2048xi32, #tpu.memory_space<hbm>> -> memref<1x64xi32, #tpu.memory_space<hbm>>
    %dma_wait3A_132 = tpu.memref_squeeze %dma_wait3A_131 : memref<1x64xi32, #tpu.memory_space<hbm>> -> memref<64xi32, #tpu.memory_space<hbm>>
    tpu.wait_dma2 semaphore(%arg11 : memref<!tpu.dma_semaphore, #tpu.memory_space<semaphore_mem>>) src(%dma_wait3A_132 : memref<64xi32, #tpu.memory_space<hbm>>) dst(%dma_wait3A_130 : memref<64xi32, #tpu.memory_space<vmem>>)
    %dma_start3A_133 = arith.constant 3 : i32
    %dma_start3A_134 = arith.constant 192 : i32
    %dma_start3A_135 = arith.constant 0 : i32
    %dma_start3A_136 = tpu.memref_slice %arg7[%dma_start3A_134, %dma_start3A_135] : memref<256x128xf32, #tpu.memory_space<vmem>> -> memref<64x128xf32, #tpu.memory_space<vmem>>
    %dma_start3A_137 = arith.constant 0 : i32
    %dma_start3A_138 = tpu.memref_slice %arg6[%dma_start3A_133, %dma_start3A_137] : memref<4x64xi32, #tpu.memory_space<vmem>> -> memref<1x64xi32, #tpu.memory_space<vmem>>
    %dma_start3A_139 = tpu.memref_squeeze %dma_start3A_138 : memref<1x64xi32, #tpu.memory_space<vmem>> -> memref<64xi32, #tpu.memory_space<vmem>>
    %dma_start3A_140 = arith.constant 0 : i32
    %dma_start3A_141 = arith.constant 0 : i32
    %dma_start3A_142 = tpu.memref_slice %arg3[%dma_start3A_140, %dma_start3A_141] : memref<100000x128xf32, #tpu.memory_space<hbm>> -> memref<100000x128xf32, #tpu.memory_space<hbm>>
    tpu.enqueue_indirect_dma source(%dma_start3A_142 : memref<100000x128xf32, #tpu.memory_space<hbm>>) target(%dma_start3A_136 : memref<64x128xf32, #tpu.memory_space<vmem>>) offsets(%dma_start3A_139 : memref<64xi32, #tpu.memory_space<vmem>>) semaphore(%arg11 : memref<!tpu.dma_semaphore, #tpu.memory_space<semaphore_mem>>) {add = true}
    %dma_wait3A_143 = arith.constant 0 : i32
    %dma_wait3A_144 = arith.constant 0 : i32
    %dma_wait3A_145 = arith.constant 0 : i32
    %dma_wait3A_146 = tpu.memref_slice %arg6[%dma_wait3A_144, %dma_wait3A_145] : memref<4x64xi32, #tpu.memory_space<vmem>> -> memref<1x64xi32, #tpu.memory_space<vmem>>
    %dma_wait3A_147 = tpu.memref_squeeze %dma_wait3A_146 : memref<1x64xi32, #tpu.memory_space<vmem>> -> memref<64xi32, #tpu.memory_space<vmem>>
    %dma_wait3A_148 = tpu.memref_slice %arg2[%dma_wait3A_143, %mul3A_2] : memref<4x2048xi32, #tpu.memory_space<hbm>> -> memref<1x64xi32, #tpu.memory_space<hbm>>
    %dma_wait3A_149 = tpu.memref_squeeze %dma_wait3A_148 : memref<1x64xi32, #tpu.memory_space<hbm>> -> memref<64xi32, #tpu.memory_space<hbm>>
    %dma_wait3A_150 = arith.constant 0 : i32
    %dma_wait3A_151 = tpu.memref_slice %arg6[%dma_wait3A_144, %dma_wait3A_150] : memref<4x64xi32, #tpu.memory_space<vmem>> -> memref<1x64xi32, #tpu.memory_space<vmem>>
    %dma_wait3A_152 = tpu.memref_squeeze %dma_wait3A_151 : memref<1x64xi32, #tpu.memory_space<vmem>> -> memref<64xi32, #tpu.memory_space<vmem>>
    %dma_wait3A_153 = tpu.memref_slice %arg2[%dma_wait3A_143, %mul3A_2] : memref<4x2048xi32, #tpu.memory_space<hbm>> -> memref<1x64xi32, #tpu.memory_space<hbm>>
    %dma_wait3A_154 = tpu.memref_squeeze %dma_wait3A_153 : memref<1x64xi32, #tpu.memory_space<hbm>> -> memref<64xi32, #tpu.memory_space<hbm>>
    tpu.wait_dma2 semaphore(%arg8 : memref<!tpu.dma_semaphore, #tpu.memory_space<semaphore_mem>>) src(%dma_wait3A_154 : memref<64xi32, #tpu.memory_space<hbm>>) dst(%dma_wait3A_152 : memref<64xi32, #tpu.memory_space<vmem>>)
    %dma_start3A_155 = arith.constant 0 : i32
    %dma_start3A_156 = arith.constant 0 : i32
    %dma_start3A_157 = arith.constant 0 : i32
    %dma_start3A_158 = tpu.memref_slice %arg7[%dma_start3A_156, %dma_start3A_157] : memref<256x128xf32, #tpu.memory_space<vmem>> -> memref<64x128xf32, #tpu.memory_space<vmem>>
    %dma_start3A_159 = arith.constant 0 : i32
    %dma_start3A_160 = tpu.memref_slice %arg6[%dma_start3A_155, %dma_start3A_159] : memref<4x64xi32, #tpu.memory_space<vmem>> -> memref<1x64xi32, #tpu.memory_space<vmem>>
    %dma_start3A_161 = tpu.memref_squeeze %dma_start3A_160 : memref<1x64xi32, #tpu.memory_space<vmem>> -> memref<64xi32, #tpu.memory_space<vmem>>
    %dma_start3A_162 = arith.constant 0 : i32
    %dma_start3A_163 = arith.constant 0 : i32
    %dma_start3A_164 = tpu.memref_slice %arg3[%dma_start3A_162, %dma_start3A_163] : memref<100000x128xf32, #tpu.memory_space<hbm>> -> memref<100000x128xf32, #tpu.memory_space<hbm>>
    tpu.enqueue_indirect_dma source(%dma_start3A_164 : memref<100000x128xf32, #tpu.memory_space<hbm>>) target(%dma_start3A_158 : memref<64x128xf32, #tpu.memory_space<vmem>>) offsets(%dma_start3A_161 : memref<64xi32, #tpu.memory_space<vmem>>) semaphore(%arg8 : memref<!tpu.dma_semaphore, #tpu.memory_space<semaphore_mem>>) {add = true}
    %dma_wait3A_165 = arith.constant 0 : i32
    %dma_wait3A_166 = arith.constant 0 : i32
    %dma_wait3A_167 = arith.constant 0 : i32
    %dma_wait3A_168 = tpu.memref_slice %arg7[%dma_wait3A_166, %dma_wait3A_167] : memref<256x128xf32, #tpu.memory_space<vmem>> -> memref<64x128xf32, #tpu.memory_space<vmem>>
    %dma_wait3A_169 = arith.constant 0 : i32
    %dma_wait3A_170 = tpu.memref_slice %arg6[%dma_wait3A_165, %dma_wait3A_169] : memref<4x64xi32, #tpu.memory_space<vmem>> -> memref<1x64xi32, #tpu.memory_space<vmem>>
    %dma_wait3A_171 = tpu.memref_squeeze %dma_wait3A_170 : memref<1x64xi32, #tpu.memory_space<vmem>> -> memref<64xi32, #tpu.memory_space<vmem>>
    %dma_wait3A_172 = arith.constant 0 : i32
    %dma_wait3A_173 = arith.constant 0 : i32
    %dma_wait3A_174 = tpu.memref_slice %arg3[%dma_wait3A_172, %dma_wait3A_173] : memref<100000x128xf32, #tpu.memory_space<hbm>> -> memref<100000x128xf32, #tpu.memory_space<hbm>>
    tpu.wait_indirect_dma semaphore(%arg8 : memref<!tpu.dma_semaphore, #tpu.memory_space<semaphore_mem>>) src(%dma_wait3A_174 : memref<100000x128xf32, #tpu.memory_space<hbm>>) dst(%dma_wait3A_168 : memref<64x128xf32, #tpu.memory_space<vmem>>)
    %add3A_175 = arith.constant 0 : i32
    %add3A_176 = arith.addi %add3A_175, %mul3A_2 : i32
    %dma_start3A_177 = arith.constant 0 : i32
    %dma_start3A_178 = arith.constant 0 : i32
    %dma_start3A_179 = tpu.memref_slice %arg7[%dma_start3A_177, %dma_start3A_178] : memref<256x128xf32, #tpu.memory_space<vmem>> -> memref<64x128xf32, #tpu.memory_space<vmem>>
    %dma_start3A_180 = arith.constant 0 : i32
    %dma_start3A_181 = tpu.memref_slice %arg5[%add3A_176, %dma_start3A_180] : memref<8192x128xf32, #tpu.memory_space<hbm>> -> memref<64x128xf32, #tpu.memory_space<hbm>>
    %dma_start3A_182 = arith.constant 0 : i32
    %dma_start3A_183 = tpu.memref_slice %arg5[%add3A_176, %dma_start3A_182] : memref<8192x128xf32, #tpu.memory_space<hbm>> -> memref<64x128xf32, #tpu.memory_space<hbm>>
    %dma_start3A_184 = arith.constant 0 : i32
    %dma_start3A_185 = arith.constant 0 : i32
    %dma_start3A_186 = tpu.memref_slice %arg7[%dma_start3A_184, %dma_start3A_185] : memref<256x128xf32, #tpu.memory_space<vmem>> -> memref<64x128xf32, #tpu.memory_space<vmem>>
    tpu.enqueue_dma source(%dma_start3A_186 : memref<64x128xf32, #tpu.memory_space<vmem>>) target(%dma_start3A_183 : memref<64x128xf32, #tpu.memory_space<hbm>>) target_semaphore(%arg13 : memref<!tpu.dma_semaphore, #tpu.memory_space<semaphore_mem>>)
    %dma_wait3A_187 = arith.constant 1 : i32
    %dma_wait3A_188 = arith.constant 64 : i32
    %dma_wait3A_189 = arith.constant 0 : i32
    %dma_wait3A_190 = tpu.memref_slice %arg7[%dma_wait3A_188, %dma_wait3A_189] : memref<256x128xf32, #tpu.memory_space<vmem>> -> memref<64x128xf32, #tpu.memory_space<vmem>>
    %dma_wait3A_191 = arith.constant 0 : i32
    %dma_wait3A_192 = tpu.memref_slice %arg6[%dma_wait3A_187, %dma_wait3A_191] : memref<4x64xi32, #tpu.memory_space<vmem>> -> memref<1x64xi32, #tpu.memory_space<vmem>>
    %dma_wait3A_193 = tpu.memref_squeeze %dma_wait3A_192 : memref<1x64xi32, #tpu.memory_space<vmem>> -> memref<64xi32, #tpu.memory_space<vmem>>
    %dma_wait3A_194 = arith.constant 0 : i32
    %dma_wait3A_195 = arith.constant 0 : i32
    %dma_wait3A_196 = tpu.memref_slice %arg3[%dma_wait3A_194, %dma_wait3A_195] : memref<100000x128xf32, #tpu.memory_space<hbm>> -> memref<100000x128xf32, #tpu.memory_space<hbm>>
    tpu.wait_indirect_dma semaphore(%arg9 : memref<!tpu.dma_semaphore, #tpu.memory_space<semaphore_mem>>) src(%dma_wait3A_196 : memref<100000x128xf32, #tpu.memory_space<hbm>>) dst(%dma_wait3A_190 : memref<64x128xf32, #tpu.memory_space<vmem>>)
    %add3A_197 = arith.constant 2048 : i32
    %add3A_198 = arith.addi %add3A_197, %mul3A_2 : i32
    %dma_start3A_199 = arith.constant 64 : i32
    %dma_start3A_200 = arith.constant 0 : i32
    %dma_start3A_201 = tpu.memref_slice %arg7[%dma_start3A_199, %dma_start3A_200] : memref<256x128xf32, #tpu.memory_space<vmem>> -> memref<64x128xf32, #tpu.memory_space<vmem>>
    %dma_start3A_202 = arith.constant 0 : i32
    %dma_start3A_203 = tpu.memref_slice %arg5[%add3A_198, %dma_start3A_202] : memref<8192x128xf32, #tpu.memory_space<hbm>> -> memref<64x128xf32, #tpu.memory_space<hbm>>
    %dma_start3A_204 = arith.constant 0 : i32
    %dma_start3A_205 = tpu.memref_slice %arg5[%add3A_198, %dma_start3A_204] : memref<8192x128xf32, #tpu.memory_space<hbm>> -> memref<64x128xf32, #tpu.memory_space<hbm>>
    %dma_start3A_206 = arith.constant 64 : i32
    %dma_start3A_207 = arith.constant 0 : i32
    %dma_start3A_208 = tpu.memref_slice %arg7[%dma_start3A_206, %dma_start3A_207] : memref<256x128xf32, #tpu.memory_space<vmem>> -> memref<64x128xf32, #tpu.memory_space<vmem>>
    tpu.enqueue_dma source(%dma_start3A_208 : memref<64x128xf32, #tpu.memory_space<vmem>>) target(%dma_start3A_205 : memref<64x128xf32, #tpu.memory_space<hbm>>) target_semaphore(%arg13 : memref<!tpu.dma_semaphore, #tpu.memory_space<semaphore_mem>>)
    %dma_wait3A_209 = arith.constant 2 : i32
    %dma_wait3A_210 = arith.constant 128 : i32
    %dma_wait3A_211 = arith.constant 0 : i32
    %dma_wait3A_212 = tpu.memref_slice %arg7[%dma_wait3A_210, %dma_wait3A_211] : memref<256x128xf32, #tpu.memory_space<vmem>> -> memref<64x128xf32, #tpu.memory_space<vmem>>
    %dma_wait3A_213 = arith.constant 0 : i32
    %dma_wait3A_214 = tpu.memref_slice %arg6[%dma_wait3A_209, %dma_wait3A_213] : memref<4x64xi32, #tpu.memory_space<vmem>> -> memref<1x64xi32, #tpu.memory_space<vmem>>
    %dma_wait3A_215 = tpu.memref_squeeze %dma_wait3A_214 : memref<1x64xi32, #tpu.memory_space<vmem>> -> memref<64xi32, #tpu.memory_space<vmem>>
    %dma_wait3A_216 = arith.constant 0 : i32
    %dma_wait3A_217 = arith.constant 0 : i32
    %dma_wait3A_218 = tpu.memref_slice %arg3[%dma_wait3A_216, %dma_wait3A_217] : memref<100000x128xf32, #tpu.memory_space<hbm>> -> memref<100000x128xf32, #tpu.memory_space<hbm>>
    tpu.wait_indirect_dma semaphore(%arg10 : memref<!tpu.dma_semaphore, #tpu.memory_space<semaphore_mem>>) src(%dma_wait3A_218 : memref<100000x128xf32, #tpu.memory_space<hbm>>) dst(%dma_wait3A_212 : memref<64x128xf32, #tpu.memory_space<vmem>>)
    %add3A_219 = arith.constant 4096 : i32
    %add3A_220 = arith.addi %add3A_219, %mul3A_2 : i32
    %dma_start3A_221 = arith.constant 128 : i32
    %dma_start3A_222 = arith.constant 0 : i32
    %dma_start3A_223 = tpu.memref_slice %arg7[%dma_start3A_221, %dma_start3A_222] : memref<256x128xf32, #tpu.memory_space<vmem>> -> memref<64x128xf32, #tpu.memory_space<vmem>>
    %dma_start3A_224 = arith.constant 0 : i32
    %dma_start3A_225 = tpu.memref_slice %arg5[%add3A_220, %dma_start3A_224] : memref<8192x128xf32, #tpu.memory_space<hbm>> -> memref<64x128xf32, #tpu.memory_space<hbm>>
    %dma_start3A_226 = arith.constant 0 : i32
    %dma_start3A_227 = tpu.memref_slice %arg5[%add3A_220, %dma_start3A_226] : memref<8192x128xf32, #tpu.memory_space<hbm>> -> memref<64x128xf32, #tpu.memory_space<hbm>>
    %dma_start3A_228 = arith.constant 128 : i32
    %dma_start3A_229 = arith.constant 0 : i32
    %dma_start3A_230 = tpu.memref_slice %arg7[%dma_start3A_228, %dma_start3A_229] : memref<256x128xf32, #tpu.memory_space<vmem>> -> memref<64x128xf32, #tpu.memory_space<vmem>>
    tpu.enqueue_dma source(%dma_start3A_230 : memref<64x128xf32, #tpu.memory_space<vmem>>) target(%dma_start3A_227 : memref<64x128xf32, #tpu.memory_space<hbm>>) target_semaphore(%arg13 : memref<!tpu.dma_semaphore, #tpu.memory_space<semaphore_mem>>)
    %dma_wait3A_231 = arith.constant 3 : i32
    %dma_wait3A_232 = arith.constant 192 : i32
    %dma_wait3A_233 = arith.constant 0 : i32
    %dma_wait3A_234 = tpu.memref_slice %arg7[%dma_wait3A_232, %dma_wait3A_233] : memref<256x128xf32, #tpu.memory_space<vmem>> -> memref<64x128xf32, #tpu.memory_space<vmem>>
    %dma_wait3A_235 = arith.constant 0 : i32
    %dma_wait3A_236 = tpu.memref_slice %arg6[%dma_wait3A_231, %dma_wait3A_235] : memref<4x64xi32, #tpu.memory_space<vmem>> -> memref<1x64xi32, #tpu.memory_space<vmem>>
    %dma_wait3A_237 = tpu.memref_squeeze %dma_wait3A_236 : memref<1x64xi32, #tpu.memory_space<vmem>> -> memref<64xi32, #tpu.memory_space<vmem>>
    %dma_wait3A_238 = arith.constant 0 : i32
    %dma_wait3A_239 = arith.constant 0 : i32
    %dma_wait3A_240 = tpu.memref_slice %arg3[%dma_wait3A_238, %dma_wait3A_239] : memref<100000x128xf32, #tpu.memory_space<hbm>> -> memref<100000x128xf32, #tpu.memory_space<hbm>>
    tpu.wait_indirect_dma semaphore(%arg11 : memref<!tpu.dma_semaphore, #tpu.memory_space<semaphore_mem>>) src(%dma_wait3A_240 : memref<100000x128xf32, #tpu.memory_space<hbm>>) dst(%dma_wait3A_234 : memref<64x128xf32, #tpu.memory_space<vmem>>)
    %add3A_241 = arith.constant 6144 : i32
    %add3A_242 = arith.addi %add3A_241, %mul3A_2 : i32
    %dma_start3A_243 = arith.constant 192 : i32
    %dma_start3A_244 = arith.constant 0 : i32
    %dma_start3A_245 = tpu.memref_slice %arg7[%dma_start3A_243, %dma_start3A_244] : memref<256x128xf32, #tpu.memory_space<vmem>> -> memref<64x128xf32, #tpu.memory_space<vmem>>
    %dma_start3A_246 = arith.constant 0 : i32
    %dma_start3A_247 = tpu.memref_slice %arg5[%add3A_242, %dma_start3A_246] : memref<8192x128xf32, #tpu.memory_space<hbm>> -> memref<64x128xf32, #tpu.memory_space<hbm>>
    %dma_start3A_248 = arith.constant 0 : i32
    %dma_start3A_249 = tpu.memref_slice %arg5[%add3A_242, %dma_start3A_248] : memref<8192x128xf32, #tpu.memory_space<hbm>> -> memref<64x128xf32, #tpu.memory_space<hbm>>
    %dma_start3A_250 = arith.constant 192 : i32
    %dma_start3A_251 = arith.constant 0 : i32
    %dma_start3A_252 = tpu.memref_slice %arg7[%dma_start3A_250, %dma_start3A_251] : memref<256x128xf32, #tpu.memory_space<vmem>> -> memref<64x128xf32, #tpu.memory_space<vmem>>
    tpu.enqueue_dma source(%dma_start3A_252 : memref<64x128xf32, #tpu.memory_space<vmem>>) target(%dma_start3A_249 : memref<64x128xf32, #tpu.memory_space<hbm>>) target_semaphore(%arg13 : memref<!tpu.dma_semaphore, #tpu.memory_space<semaphore_mem>>)
    %dma_wait3A_253 = arith.constant 0 : i32
    %dma_wait3A_254 = arith.constant 0 : i32
    %dma_wait3A_255 = tpu.memref_slice %arg7[%dma_wait3A_253, %dma_wait3A_254] : memref<256x128xf32, #tpu.memory_space<vmem>> -> memref<64x128xf32, #tpu.memory_space<vmem>>
    %dma_wait3A_256 = arith.constant 0 : i32
    %dma_wait3A_257 = tpu.memref_slice %arg5[%add3A_176, %dma_wait3A_256] : memref<8192x128xf32, #tpu.memory_space<hbm>> -> memref<64x128xf32, #tpu.memory_space<hbm>>
    %dma_wait3A_258 = arith.constant 0 : i32
    %dma_wait3A_259 = tpu.memref_slice %arg5[%add3A_176, %dma_wait3A_258] : memref<8192x128xf32, #tpu.memory_space<hbm>> -> memref<64x128xf32, #tpu.memory_space<hbm>>
    %dma_wait3A_260 = arith.constant 0 : i32
    %dma_wait3A_261 = arith.constant 0 : i32
    %dma_wait3A_262 = tpu.memref_slice %arg7[%dma_wait3A_260, %dma_wait3A_261] : memref<256x128xf32, #tpu.memory_space<vmem>> -> memref<64x128xf32, #tpu.memory_space<vmem>>
    tpu.wait_dma2 semaphore(%arg13 : memref<!tpu.dma_semaphore, #tpu.memory_space<semaphore_mem>>) src(%dma_wait3A_262 : memref<64x128xf32, #tpu.memory_space<vmem>>) dst(%dma_wait3A_259 : memref<64x128xf32, #tpu.memory_space<hbm>>)
    %dma_wait3A_263 = arith.constant 64 : i32
    %dma_wait3A_264 = arith.constant 0 : i32
    %dma_wait3A_265 = tpu.memref_slice %arg7[%dma_wait3A_263, %dma_wait3A_264] : memref<256x128xf32, #tpu.memory_space<vmem>> -> memref<64x128xf32, #tpu.memory_space<vmem>>
    %dma_wait3A_266 = arith.constant 0 : i32
    %dma_wait3A_267 = tpu.memref_slice %arg5[%add3A_198, %dma_wait3A_266] : memref<8192x128xf32, #tpu.memory_space<hbm>> -> memref<64x128xf32, #tpu.memory_space<hbm>>
    %dma_wait3A_268 = arith.constant 0 : i32
    %dma_wait3A_269 = tpu.memref_slice %arg5[%add3A_198, %dma_wait3A_268] : memref<8192x128xf32, #tpu.memory_space<hbm>> -> memref<64x128xf32, #tpu.memory_space<hbm>>
    %dma_wait3A_270 = arith.constant 64 : i32
    %dma_wait3A_271 = arith.constant 0 : i32
    %dma_wait3A_272 = tpu.memref_slice %arg7[%dma_wait3A_270, %dma_wait3A_271] : memref<256x128xf32, #tpu.memory_space<vmem>> -> memref<64x128xf32, #tpu.memory_space<vmem>>
    tpu.wait_dma2 semaphore(%arg13 : memref<!tpu.dma_semaphore, #tpu.memory_space<semaphore_mem>>) src(%dma_wait3A_272 : memref<64x128xf32, #tpu.memory_space<vmem>>) dst(%dma_wait3A_269 : memref<64x128xf32, #tpu.memory_space<hbm>>)
    %dma_wait3A_273 = arith.constant 128 : i32
    %dma_wait3A_274 = arith.constant 0 : i32
    %dma_wait3A_275 = tpu.memref_slice %arg7[%dma_wait3A_273, %dma_wait3A_274] : memref<256x128xf32, #tpu.memory_space<vmem>> -> memref<64x128xf32, #tpu.memory_space<vmem>>
    %dma_wait3A_276 = arith.constant 0 : i32
    %dma_wait3A_277 = tpu.memref_slice %arg5[%add3A_220, %dma_wait3A_276] : memref<8192x128xf32, #tpu.memory_space<hbm>> -> memref<64x128xf32, #tpu.memory_space<hbm>>
    %dma_wait3A_278 = arith.constant 0 : i32
    %dma_wait3A_279 = tpu.memref_slice %arg5[%add3A_220, %dma_wait3A_278] : memref<8192x128xf32, #tpu.memory_space<hbm>> -> memref<64x128xf32, #tpu.memory_space<hbm>>
    %dma_wait3A_280 = arith.constant 128 : i32
    %dma_wait3A_281 = arith.constant 0 : i32
    %dma_wait3A_282 = tpu.memref_slice %arg7[%dma_wait3A_280, %dma_wait3A_281] : memref<256x128xf32, #tpu.memory_space<vmem>> -> memref<64x128xf32, #tpu.memory_space<vmem>>
    tpu.wait_dma2 semaphore(%arg13 : memref<!tpu.dma_semaphore, #tpu.memory_space<semaphore_mem>>) src(%dma_wait3A_282 : memref<64x128xf32, #tpu.memory_space<vmem>>) dst(%dma_wait3A_279 : memref<64x128xf32, #tpu.memory_space<hbm>>)
    %dma_wait3A_283 = arith.constant 192 : i32
    %dma_wait3A_284 = arith.constant 0 : i32
    %dma_wait3A_285 = tpu.memref_slice %arg7[%dma_wait3A_283, %dma_wait3A_284] : memref<256x128xf32, #tpu.memory_space<vmem>> -> memref<64x128xf32, #tpu.memory_space<vmem>>
    %dma_wait3A_286 = arith.constant 0 : i32
    %dma_wait3A_287 = tpu.memref_slice %arg5[%add3A_242, %dma_wait3A_286] : memref<8192x128xf32, #tpu.memory_space<hbm>> -> memref<64x128xf32, #tpu.memory_space<hbm>>
    %dma_wait3A_288 = arith.constant 0 : i32
    %dma_wait3A_289 = tpu.memref_slice %arg5[%add3A_242, %dma_wait3A_288] : memref<8192x128xf32, #tpu.memory_space<hbm>> -> memref<64x128xf32, #tpu.memory_space<hbm>>
    %dma_wait3A_290 = arith.constant 192 : i32
    %dma_wait3A_291 = arith.constant 0 : i32
    %dma_wait3A_292 = tpu.memref_slice %arg7[%dma_wait3A_290, %dma_wait3A_291] : memref<256x128xf32, #tpu.memory_space<vmem>> -> memref<64x128xf32, #tpu.memory_space<vmem>>
    tpu.wait_dma2 semaphore(%arg13 : memref<!tpu.dma_semaphore, #tpu.memory_space<semaphore_mem>>) src(%dma_wait3A_292 : memref<64x128xf32, #tpu.memory_space<vmem>>) dst(%dma_wait3A_289 : memref<64x128xf32, #tpu.memory_space<hbm>>)
    return
  }
}

</mosaic_0001>

<sc_bundles>
// kernel: _emb_lookup.3.cloned.1.call-start
scs
__scs_entry_jumppad:
0x0: {  	(pc) =	sbr.rel $0x88, $3  }
0x1: {  	(tag) =	ssettag $0x0;
	lr =	simm.s32 $0x1  }
0x2: {  	[smem:$0x3F9E] =	sst lr;
	_ =	strace $0xD0000000  }
0x3: {  	_ = 	snop  }
0x4: {  	_ = 	snop  }
0x5: {  	_ = 	snop  }
0x6: {  	_ = 	snop  }
0x7: {  	_ = 	snop  }
__scs_overlays_trampoline_lowered:
0x8: {  	[smem:$0x3FAD] =	sst s0  }
0x9: {  	[smem:$0x3FAE] =	sst s1  }
0xa: {  	[smem:$0x3FAF] =	sst s2  }
0xb: {  	[smem:$0x3FB0] =	sst s3  }
0xc: {  	[smem:$0x3FB1] =	sst s4  }
0xd: {  	[smem:$0x3FB2] =	sst s5  }
0xe: {  	[smem:$0x3FB3] =	sst s6  }
0xf: {  	[smem:$0x3FB4] =	sst s7  }
0x10: {  	[smem:$0x3FB5] =	sst s8  }
0x11: {  	[smem:$0x3FB6] =	sst s9;
	s0 =	simm.s32 @!p0 $0x0  }
0x12: {  	s1 =	sld [smem:$0x3F9C];
	s0 =	simm.s32 @p0 $0x1  }
0x13: {  	[smem:$0x3FB7] =	sst s0;
	s0 =	simm.s32 @!p1 $0x0  }
0x14: {  	s2 =	sld [smem:$0x3F9B];
	s0 =	simm.s32 @p1 $0x1  }
0x15: {  	[smem:$0x3FB8] =	sst s0;
	s0 =	simm.s32 @!p2 $0x0  }
0x16: {  	s3 =	sld [smem:$0x3FDB];
	s0 =	simm.s32 @p2 $0x1  }
0x17: {  	s4 =	simm.s32 $0x1BF5;
	[smem:$0x3FBA] =	sst s0  }
0x18: {  	s0 =	sld [smem:$0x3F9D];
	_ =	swait.ge [sflag:s4], $0x0  }
0x19: {  	s7 =	sld [smem:$0x3F9E]  }
0x1a: {  	s8 =	sadd.s32 $0xFFFFE003, lr  }
0x1b: {  	s9 =	sadd.s32 $0xFFFFFEF7, lr;
	s5 =	simm.s32 $0xFFFFFFFF;
	p2 =	slt.u32 s8, $0xFFFFF086  }
0x1c: {  	p1 =	slt.u32 s9, $0xF7A;
	s5 =	simm.s32 @!p2 $0x0  }
0x1d: {  	s5 =	simm.s32 @p1 $0x1;
	p0 =	seq.s32 s7, s2  }
0x1e: {  	s7 =	smul.u32 @!p0 $0xF7A, s2;
	p2 =	seq.s32 @!p0 s5, $0x0  }
0x1f: {  	s9 =	smul.u32 $0xF7A, s1;
	s8 =	simm.s32 @!p0 $0x1BF5;
	p2 =	por !p2, p0  }
0x20: {  	[sflag:s8] =	ssyncset.s32 @!p0 $0xFFFFF086;
	s6 =	sadd.s32 @!p0 s3, s7;
	s7 =	simm.s32 @!p0 $0x108  }
0x21: {  	s3 =	sadd.s32 s3, s9;
	s6 =	sadd.s32 @!p0 $0x88, s6;
	s7 =	simm.s32 @p2 $0x1082  }
0x22: {  	[simem:s7], [sflag:s8] =	dma.local @!p0 [hbm:s6], $0xF7A  }
0x23: {  	s9 =	sor.u32 $0xD0000000, s2;
	s6 =	simm.s32 $0x108;
	_ =	swait.ge @!p0 [sflag:s8], $0x0  }
0x24: {  	s3 =	sadd.s32 $0x88, s3;
	s6 =	simm.s32 @!p1 $0x1082;
	[sflag:s4] =	ssyncset.s32 $0xFFFFF086  }
0x25: {  	[simem:s6], [sflag:s4] =	dma.local [hbm:s3], $0xF7A  }
0x26: {  	[smem:$0x3F9E] =	sst s1;
	(tag) =	ssettag s2;
	_ =	strace s9  }
0x27: {  	s1 =	sld [smem:$0x3FAE]  }
0x28: {  	s2 =	sld [smem:$0x3FAF]  }
0x29: {  	s4 =	sld [smem:$0x3FB1]  }
0x2a: {  	p0 =	seq.s32 s5, $0x0;
	s5 =	sld [smem:$0x3FB2]  }
0x2b: {  	s6 =	sld [smem:$0x3FB3]  }
0x2c: {  	s7 =	sld [smem:$0x3FB4]  }
0x2d: {  	s3 =	simm.s32 $0x108;
	s8 =	sld [smem:$0x3FB5]  }
0x2e: {  	s3 =	simm.s32 @!p0 $0x1082;
	s9 =	sld [smem:$0x3FB6]  }
0x2f: {  	lr =	sadd.s32 s0, s3;
	s0 =	sld [smem:$0x3FAD]  }
0x30: {  	s3 =	sld [smem:$0x3FB0]  }
0x31: {  	[smem:$0x3FB9] =	sst s10  }
0x32: {  	s10 =	sld [smem:$0x3FB7];
	_ =	sdelay $0x3  }
0x33: {  	p0 =	seq.s32 s10, $0x1;
	s10 =	sld [smem:$0x3FB9];
	_ =	sdelay $0x3  }
0x34: {  	[smem:$0x3FB9] =	sst s10  }
0x35: {  	s10 =	sld [smem:$0x3FB8];
	_ =	sdelay $0x3  }
0x36: {  	p1 =	seq.s32 s10, $0x1;
	s10 =	sld [smem:$0x3FB9];
	_ =	sdelay $0x3  }
0x37: {  	[smem:$0x3FB9] =	sst s10  }
0x38: {  	s10 =	sld [smem:$0x3FBA]  }
0x39: {  	_ = 	snop;
	(pc) =	sbr.ind lr, $3  }
0x3a: {  	_ = 	snop  }
0x3b: {  	_ = 	snop  }
0x3c: {  	p2 =	seq.s32 s10, $0x1;
	s10 =	sld [smem:$0x3FB9]  }
0x3d: {  	_ =	shalt  }
0x3e: {  	_ =	shalt  }
0x3f: {  	_ =	shalt  }
0x40: {  	_ =	shalt  }
0x41: {  	_ =	shalt  }
0x42: {  	_ =	shalt  }
0x43: {  	_ =	shalt  }
0x44: {  	_ =	shalt  }
0x45: {  	_ =	shalt  }
0x46: {  	_ =	shalt  }
0x47: {  	_ =	shalt  }
0x48: {  	_ =	shalt  }
0x49: {  	_ =	shalt  }
0x4a: {  	_ =	shalt  }
0x4b: {  	_ =	shalt  }
0x4c: {  	_ =	shalt  }
0x4d: {  	_ =	shalt  }
0x4e: {  	_ =	shalt  }
0x4f: {  	_ =	shalt  }
0x50: {  	_ =	shalt  }
0x51: {  	_ =	shalt  }
0x52: {  	_ =	shalt  }
0x53: {  	_ =	shalt  }
0x54: {  	_ =	shalt  }
0x55: {  	_ =	shalt  }
0x56: {  	_ =	shalt  }
0x57: {  	_ =	shalt  }
0x58: {  	_ =	shalt  }
0x59: {  	_ =	shalt  }
0x5a: {  	_ =	shalt  }
0x5b: {  	_ =	shalt  }
0x5c: {  	_ =	shalt  }
0x5d: {  	_ =	shalt  }
0x5e: {  	_ =	shalt  }
0x5f: {  	_ =	shalt  }
0x60: {  	_ =	shalt  }
0x61: {  	_ =	shalt  }
0x62: {  	_ =	shalt  }
0x63: {  	_ =	shalt  }
0x64: {  	_ =	shalt  }
0x65: {  	_ =	shalt  }
0x66: {  	_ =	shalt  }
0x67: {  	_ =	shalt  }
0x68: {  	_ =	shalt  }
0x69: {  	_ =	shalt  }
0x6a: {  	_ =	shalt  }
0x6b: {  	_ =	shalt  }
0x6c: {  	_ =	shalt  }
0x6d: {  	_ =	shalt  }
0x6e: {  	_ =	shalt  }
0x6f: {  	_ =	shalt  }
0x70: {  	_ =	shalt  }
0x71: {  	_ =	shalt  }
0x72: {  	_ =	shalt  }
0x73: {  	_ =	shalt  }
0x74: {  	_ =	shalt  }
0x75: {  	_ =	shalt  }
0x76: {  	_ =	shalt  }
0x77: {  	_ =	shalt  }
0x78: {  	_ =	shalt  }
0x79: {  	_ =	shalt  }
0x7a: {  	_ =	shalt  }
0x7b: {  	_ =	shalt  }
0x7c: {  	_ =	shalt  }
0x7d: {  	_ =	shalt  }
0x7e: {  	_ =	shalt  }
0x7f: {  	_ =	shalt  }
0x80: {  	_ =	shalt  }
0x81: {  	_ =	shalt  }
0x82: {  	_ =	shalt  }
0x83: {  	_ =	shalt  }
0x84: {  	_ =	shalt  }
0x85: {  	_ =	shalt  }
0x86: {  	_ =	shalt  }
0x87: {  	_ =	shalt  }
.Lfunc_end0:
.L_simem_size_0:
called_computation_lowered:
.L_overlay_start_0:
0x88: {  	s2 =	sld [smem:$0x3FD9]  }
0x89: {  	s3 =	sld [smem:$0x3FFE];
	_ =	sdelay $0x1  }
0x8a: {  	s1 =	srdreg.scid  }
0x8b: {  	s0 =	sand.u32 $0x1, s1  }
0x8c: {  	s18 =	sshll.u32 s0, $0xA;
	s2 =	sadd.s32 s3, s2  }
0x8d: {  	s2 =	sadd.s32 s2, s18  }
0x8e: {  	[smem:$0x3FC5] =	sst s2  }
0x8f: {  	_ = 	snop  }
0x90: {  	s2 =	sld [smem:$0x3FC9]  }
0x91: {  	s19 =	sld [smem:$0x3FC8]  }
0x92: {  	s4 =	sld [smem:$0x3FC7]  }
0x93: {  	s5 =	sld [smem:$0x3FD0];
	(tm) =	ssettm $0x1  }
0x94: {  	s6 =	sld [smem:$0x3FFB];
	_ =	sdelay $0x3  }
0x95: {  	_ =	strace s6  }
0x96: {  	s6 =	sld [smem:$0x3FFC];
	_ =	sdelay $0x3  }
0x97: {  	_ =	strace s6  }
0x98: {  	s6 =	sld [smem:$0x3FFD];
	_ =	sdelay $0x3  }
0x99: {  	_ =	strace s6  }
0x9a: {  	_ =	strace $0x8FFFFFFF  }
0x9b: {  	s20 =	sld [smem:$0x3FDB];
	_ =	sdelay $0x1  }
0x9c: {  	s7 =	simm.s32 $_scs_section_size  }
0x9d: {  	s8 =	simm.s32 $_size__tile_overlayer_lowered;
	s9 =	simm.s32 $_tile_overlayer_lowered  }
0x9e: {  	s23 =	simm.s32 $0x1BFF;
	s22 =	sshll.u32 s9, $0x1;
	s6 =	sadd.s32 s7, s20  }
0x9f: {  	s10 =	simm.s32 $0x0;
	s21 =	sshll.u32 s8, $0x1;
	s8 =	sadd.s32 s22, s6  }
0xa0: {  	[timem:s10], [sflag:s23] =	dma.local [hbm:s8], s21  }
0xa1: {  	_ =	swait.ge [sflag:s23], s21  }
0xa2: {  	s7 =	ssub.s32 $0x0, s21;
	[sflag:s23] =	ssyncset.done $0x0  }
0xa3: {  	[sflag:s23] =	ssyncadd.s32 s7;
	_ =	sdelay $0x1  }
0xa4: {  	s24 =	simm.s32 $0x1B8B  }
0xa5: {  	_ =	swait.ge [sflag:s24], $0x1  }
0xa6: {  	[sflag:s24] =	ssyncset.done $0x0  }
0xa7: {  	s25 =	simm.s32 $0x1B8E;
	[sflag:s24] =	ssyncadd.s32 $0xFFFFFFFF  }
0xa8: {  	s26 =	simm.s32 $execute0_lowered;
	[smem:$0x3FD2] =	sst s25  }
0xa9: {  	s7 =	sshll.u32 s26, $0x1;
	_ =	strace $0x80000046;
	[dreg:$0x1] =	wrdreg $0xFFFFFFFF  }
0xaa: {  	s28 =	simm.s32 $_size_execute0_lowered;
	s6 =	sadd.s32 s6, s7;
	[dreg:$0x0] =	wrdreg $0x0  }
0xab: {  	s7 =	sshll.u32 s28, $0x1;
	[dreg:$0x2] =	wrdreg s6  }
0xac: {  	[dreg:$0x3] =	wrdreg s7  }
0xad: {  	[dreg:$0x4] =	wrdreg $0xC0  }
0xae: {  	_ =	task [dreg:s10], $0x5FFFF  }
0xaf: {  	[dreg:$0x1] =	wrdreg $0xFFFFFFFF  }
0xb0: {  	[dreg:$0x0] =	wrdreg $0x60  }
0xb1: {  	[dreg:$0x2] =	wrdreg s2  }
0xb2: {  	[dreg:$0x3] =	wrdreg s19  }
0xb3: {  	[dreg:$0x4] =	wrdreg s4  }
0xb4: {  	[dreg:$0x5] =	wrdreg s5  }
0xb5: {  	[dreg:$0x6] =	wrdreg $0x9  }
0xb6: {  	_ =	task.clear_ibuf [dreg:s10], $0x7FFFF;
	_ =	strace $0x90000046  }
0xb7: {  	s29 =	simm.s32 $0x9;
	_ =	strace $0x80000048  }
0xb8: {  	_ =	swait.ge [sflag:s29], $0x1  }
0xb9: {  	[sflag:s29] =	ssyncadd.s32 $0xFFFFFFFF  }
0xba: {  	_ =	strace $0x90000048  }
0xbb: {  	_ =	sfence  }
0xbc: {  	s30 =	sld [smem:$0x0];
	_ =	sdelay $0x2  }
0xbd: {  	s31 =	sshll.u32 s1, $0xD;
	s1 =	sshrl.u32 s1, $0x2  }
0xbe: {  	s3 =	sand.u32 $0x4000, s31;
	s1 =	sadd.s32 s1, s30  }
0xbf: {  	s0 =	sor.u32 s3, s0;
	s1 =	sshll.u32 s1, $0x11  }
0xc0: {  	s0 =	sor.u32 s1, s0  }
0xc1: {  	s0 =	sadd.s32 $0x8F2B, s0  }
0xc2: {  	[sflag:s0] =	ssyncadd.remote.s32 $0x1  }
0xc3: {  	_ =	sfence.sel $0xFFFF  }
0xc4: {  	[dreg:$0x0] =	wrdreg $0xFFFFFFFF;
	(pc) =	sbr.abs _section_cstart, $3  }
0xc5: {  	[dreg:$0x1] =	wrdreg $0xFFFFFFFF  }
0xc6: {  	_ =	task.clear_ibuf [dreg:s10], $0x2FFFF;
	_ =	strace $0x9FFFFFFF  }
0xc7: {  	(tm) =	ssettm $0x7FFFFFFF  }
tec
execute0_lowered:
.L_overlay_start_1:
0x0: {  	(tag) =	ssettag $0x1  }
0x1: {  	s2 =	rddreg [dreg:$0x0]  }
0x2: {  	s3 =	srdreg.scid;
	s1 =	rddreg [dreg:$0x1]  }
0x3: {  	s0 =	stileid.u32;
	s5 =	rddreg [dreg:$0x2]  }
0x4: {  	s7 =	rddreg [dreg:$0x3];
	s14 =	simm.s32 $0x200;
	s15 =	simm.s32 $0x80  }
0x5: {  	s16 =	simm.s32 $0x100;
	s17 =	simm.s32 $0x180;
	s18 =	simm.s32 $0x5  }
0x6: {  	s19 =	simm.s32 $0x2;
	s20 =	simm.s32 $0x40;
	s21 =	simm.s32 $0x2200  }
0x7: {  	s22 =	simm.s32 $0x3;
	s23 =	simm.s32 $0x4200;
	s24 =	simm.s32 $0x4  }
0x8: {  	s25 =	simm.s32 $0x6200;
	s28 =	simm.s32 $0x6;
	s29 =	simm.s32 $0x0  }
0x9: {  	s4 =	sand.u32 $0x1, s3;
	s26 =	sshll.u32 s0, $0x7;
	s3 =	simm.s32 $0x0  }
0xa: {  	s6 =	sshll.u32 s4, $0x6;
	s4 =	ssub.s32 $0x2, s4;
	[smem:$0x7FF] =	sst s3  }
0xb: {  	s8 =	sor.u32 s6, s26;
	s11 =	sshrl.u32 s4, $0x1;
	_ =	strace $0x80000047  }
0xc: {  	s26 =	simm.s32 $0x1;
	s9 =	sshll.u32 s8, $0x2;
	s13 =	ssub.s32 s4, s11  }
0xd: {  	s8 =	sshll.u32 s8, $0x4;
	s10 =	sand.u32 $0x1E00, s9;
	s9 =	sor.u32 s6, s9  }
0xe: {  	s5 =	sadd.s32 s5, s8;
	s7 =	sadd.s32 s7, s8;
	s13 =	smax.u32 s13, $0x1  }
0xf: {  	s10 =	sor.u32 s6, s10;
	s9 =	sshrl.u32 s9, $0x3;
	s11 =	sadd.s32 $0x10000, s7  }
0x10: {  	s12 =	sadd.s32 $0x18000, s7;
	s30 =	sshrl.u32 s10, $0x3;
	s31 =	sor.u32 $0x20, s9  }
0x11: {  	s9 =	sor.u32 $0x30, s9;
	s10 =	sadd.s32 $0x8000, s7;
	s4 =	sadd.s32 s2, s30  }
0x12: {  	s8 =	sadd.s32 s2, s31;
	s9 =	sadd.s32 s2, s9;
	s6 =	sadd.s32 $0x10, s4  }
.LBB2_1:
0x13: {  	[tilespmem:s14], [sflag:$0x5] =	stream.linear.gather [hbm4b:s5+s3], $0x2000, $0x38;
	[tilespmem:$0x8200] =	vst v63  }
0x14: {  	_ = 	snop  }
0x15: {  	[tilespmem:s3], [sflag:$0x1] =	stream.linear.gather [hbm4b:s4+s3], $0x40, $0x38;
	[tilespmem:$0x8200] =	vst v63  }
0x16: {  	_ = 	snop  }
0x17: {  	[tilespmem:s15], [sflag:$0x2] =	stream.linear.gather [hbm4b:s6+s3], $0x40, $0x38;
	[tilespmem:$0x8200] =	vst v63  }
0x18: {  	_ = 	snop  }
0x19: {  	[tilespmem:s16], [sflag:$0x3] =	stream.linear.gather [hbm4b:s8+s3], $0x40, $0x38;
	[tilespmem:$0x8200] =	vst v63  }
0x1a: {  	_ = 	snop  }
0x1b: {  	[tilespmem:s17], [sflag:$0x4] =	stream.linear.gather [hbm4b:s9+s3], $0x40, $0x38;
	[tilespmem:$0x8200] =	vst v63  }
0x1c: {  	_ =	swait.ge [sflag:s18], $0x2000  }
0x1d: {  	[sflag:s18] =	ssyncset.done $0x0  }
0x1e: {  	[sflag:s18] =	ssyncadd.s32 $0xFFFFE000  }
0x1f: {  	v0 =	vld [tilespmem:s21+$0xFFFFE0F0]  }
0x20: {  	v1 =	vld [tilespmem:s21+$0xFFFFE010]  }
0x21: {  	v2 =	vld [tilespmem:s21+$0xFFFFE020]  }
0x22: {  	v3 =	vld [tilespmem:s21+$0xFFFFE030]  }
0x23: {  	v4 =	vld [tilespmem:s21+$0xFFFFE040]  }
0x24: {  	v5 =	vld [tilespmem:s21+$0xFFFFE050];
	[tilespmem:s21+$0xF0] =	vst v0  }
0x25: {  	[tilespmem:s21+$0x10] =	vst v1;
	v0 =	vld [tilespmem:s21+$0xFFFFE060]  }
0x26: {  	[tilespmem:s21+$0x20] =	vst v2;
	v1 =	vld [tilespmem:s21+$0xFFFFE070]  }
0x27: {  	[tilespmem:s21+$0x30] =	vst v3;
	v2 =	vld [tilespmem:s21+$0xFFFFE080]  }
0x28: {  	[tilespmem:s21+$0x40] =	vst v4;
	v3 =	vld [tilespmem:s21+$0xFFFFE090]  }
0x29: {  	[tilespmem:s21+$0x50] =	vst v5;
	v5 =	vld [tilespmem:s21+$0xFFFFE0A0]  }
0x2a: {  	[tilespmem:s21+$0x60] =	vst v0;
	v0 =	vld [tilespmem:s21+$0xFFFFE0B0]  }
0x2b: {  	[tilespmem:s21+$0x70] =	vst v1;
	v1 =	vld [tilespmem:s21+$0xFFFFE0C0]  }
0x2c: {  	[tilespmem:s21+$0x80] =	vst v2;
	v2 =	vld [tilespmem:s21+$0xFFFFE0D0]  }
0x2d: {  	[tilespmem:s21+$0x90] =	vst v3;
	v3 =	vld [tilespmem:s21+$0xFFFFE0E0]  }
0x2e: {  	s31 =	simm.s32 $0x0;
	s2 =	simm.s32 $0x2300;
	s30 =	simm.s32 $0x2200;
	v4 =	vld [tilespmem:s21+$0xFFFFE000];
	[tilespmem:s21+$0xA0] =	vst v5  }
.LBB2_2:
0x2f: {  	v5 =	vld [tilespmem:s2+$0xFFFFE0F0];
	s31 =	sadd.s32 $0x2, s31;
	[tilespmem:s30+$0xB0] =	vst v0  }
0x30: {  	v0 =	vld [tilespmem:s2+$0xFFFFE010];
	p0 =	slt.u32 s31, $0x3E;
	[tilespmem:s30+$0xC0] =	vst v1  }
0x31: {  	v1 =	vld [tilespmem:s2+$0xFFFFE020];
	[tilespmem:s30+$0xD0] =	vst v2  }
0x32: {  	v2 =	vld [tilespmem:s2+$0xFFFFE030];
	[tilespmem:s30+$0xE0] =	vst v3  }
0x33: {  	v3 =	vld [tilespmem:s2+$0xFFFFE040];
	[tilespmem:s30+$0x0] =	vst v4;
	s30 =	smov.u32 s2  }
0x34: {  	v4 =	vld [tilespmem:s2+$0xFFFFE050];
	[tilespmem:s2+$0xF0] =	vst v5  }
0x35: {  	[tilespmem:s2+$0x10] =	vst v0;
	v0 =	vld [tilespmem:s2+$0xFFFFE060]  }
0x36: {  	[tilespmem:s2+$0x20] =	vst v1;
	v1 =	vld [tilespmem:s2+$0xFFFFE070]  }
0x37: {  	[tilespmem:s2+$0x30] =	vst v2;
	v2 =	vld [tilespmem:s2+$0xFFFFE080]  }
0x38: {  	[tilespmem:s2+$0x40] =	vst v3;
	v3 =	vld [tilespmem:s2+$0xFFFFE090]  }
0x39: {  	[tilespmem:s2+$0x50] =	vst v4;
	v5 =	vld [tilespmem:s2+$0xFFFFE0A0]  }
.Ltmp0:
0x3a: {  	[tilespmem:s2+$0x60] =	vst v0;
	v0 =	vld [tilespmem:s2+$0xFFFFE0B0];
	(pc) =	sbr.rel @p0 .LBB2_2-.Ltmp0, $4  }
0x3b: {  	[tilespmem:s2+$0x70] =	vst v1;
	v1 =	vld [tilespmem:s2+$0xFFFFE0C0]  }
0x3c: {  	[tilespmem:s2+$0x80] =	vst v2;
	v2 =	vld [tilespmem:s2+$0xFFFFE0D0]  }
0x3d: {  	[tilespmem:s2+$0x90] =	vst v3;
	v3 =	vld [tilespmem:s2+$0xFFFFE0E0]  }
0x3e: {  	s2 =	sadd.s32 $0x100, s2;
	v4 =	vld [tilespmem:s30+$0xFFFFE000];
	[tilespmem:s30+$0xA0] =	vst v5  }
0x3f: {  	[tilespmem:s30+$0xB0] =	vst v0  }
0x40: {  	[tilespmem:s30+$0xC0] =	vst v1  }
0x41: {  	[tilespmem:s30+$0xD0] =	vst v2  }
0x42: {  	[tilespmem:s30+$0xE0] =	vst v3  }
0x43: {  	[tilespmem:s30+$0x0] =	vst v4  }
0x44: {  	_ =	swait.ge [sflag:s19], $0x40  }
0x45: {  	[sflag:s19] =	ssyncset.done $0x0  }
0x46: {  	s30 =	simm.s32 $0x200;
	[sflag:s19] =	ssyncadd.s32 $0xFFFFFFC0  }
0x47: {  	[tilespmem:s21], [sflag:$0x2] =	stream.indirect.gather.add.f32 [hbm:s1], $0x80, s15, s20, $0xb8;
	[tilespmem:$0x8200] =	vst v63  }
0x48: {  	v1 =	vld [tilespmem:s30+$0x10]  }
0x49: {  	v2 =	vld [tilespmem:s30+$0x20]  }
0x4a: {  	v0 =	vld [tilespmem:s30+$0xF0]  }
0x4b: {  	v3 =	vld [tilespmem:s30+$0x30]  }
0x4c: {  	v4 =	vld [tilespmem:s30+$0x40]  }
0x4d: {  	v5 =	vld [tilespmem:s30+$0x50];
	[tilespmem:s30+$0x4010] =	vst v1  }
0x4e: {  	v6 =	vld [tilespmem:s30+$0x60];
	[tilespmem:s30+$0x4020] =	vst v2  }
0x4f: {  	v8 =	vld [tilespmem:s30+$0x90];
	[tilespmem:s30+$0x40F0] =	vst v0  }
0x50: {  	v2 =	vld [tilespmem:s30+$0x80];
	[tilespmem:s30+$0x4030] =	vst v3  }
0x51: {  	v7 =	vld [tilespmem:s30+$0x70];
	[tilespmem:s30+$0x4040] =	vst v4  }
0x52: {  	v9 =	vld [tilespmem:s30+$0xA0];
	[tilespmem:s30+$0x4050] =	vst v5  }
0x53: {  	v0 =	vld [tilespmem:s30+$0xB0];
	[tilespmem:s30+$0x4060] =	vst v6  }
0x54: {  	v1 =	vld [tilespmem:s30+$0xC0];
	[tilespmem:s30+$0x4090] =	vst v8  }
0x55: {  	[tilespmem:s30+$0x4080] =	vst v2;
	v2 =	vld [tilespmem:s30+$0xD0]  }
0x56: {  	[tilespmem:s30+$0x4070] =	vst v7;
	v3 =	vld [tilespmem:s30+$0xE0]  }
0x57: {  	s31 =	simm.s32 $0x0;
	s2 =	simm.s32 $0x300;
	v4 =	vld [tilespmem:s30+$0x0];
	[tilespmem:s30+$0x40A0] =	vst v9  }
.LBB2_4:
0x58: {  	v5 =	vld [tilespmem:s2+$0xF0];
	s31 =	sadd.s32 $0x2, s31;
	[tilespmem:s30+$0x40B0] =	vst v0  }
0x59: {  	v0 =	vld [tilespmem:s2+$0x10];
	p0 =	slt.u32 s31, $0x3E;
	[tilespmem:s30+$0x40C0] =	vst v1  }
0x5a: {  	v1 =	vld [tilespmem:s2+$0x20];
	[tilespmem:s30+$0x40D0] =	vst v2  }
0x5b: {  	v2 =	vld [tilespmem:s2+$0x30];
	[tilespmem:s30+$0x40E0] =	vst v3  }
0x5c: {  	v3 =	vld [tilespmem:s2+$0x40];
	[tilespmem:s30+$0x4000] =	vst v4;
	s30 =	smov.u32 s2  }
0x5d: {  	v4 =	vld [tilespmem:s2+$0x50];
	[tilespmem:s2+$0x40F0] =	vst v5  }
0x5e: {  	[tilespmem:s2+$0x4010] =	vst v0;
	v0 =	vld [tilespmem:s2+$0x60]  }
0x5f: {  	[tilespmem:s2+$0x4020] =	vst v1;
	v1 =	vld [tilespmem:s2+$0x70]  }
0x60: {  	[tilespmem:s2+$0x4030] =	vst v2;
	v2 =	vld [tilespmem:s2+$0x80]  }
0x61: {  	[tilespmem:s2+$0x4040] =	vst v3;
	v3 =	vld [tilespmem:s2+$0x90]  }
0x62: {  	[tilespmem:s2+$0x4050] =	vst v4;
	v5 =	vld [tilespmem:s2+$0xA0]  }
.Ltmp1:
0x63: {  	[tilespmem:s2+$0x4060] =	vst v0;
	v0 =	vld [tilespmem:s2+$0xB0];
	(pc) =	sbr.rel @p0 .LBB2_4-.Ltmp1, $4  }
0x64: {  	[tilespmem:s2+$0x4070] =	vst v1;
	v1 =	vld [tilespmem:s2+$0xC0]  }
0x65: {  	[tilespmem:s2+$0x4080] =	vst v2;
	v2 =	vld [tilespmem:s2+$0xD0]  }
0x66: {  	[tilespmem:s2+$0x4090] =	vst v3;
	v3 =	vld [tilespmem:s2+$0xE0]  }
0x67: {  	s2 =	sadd.s32 $0x100, s2;
	v4 =	vld [tilespmem:s30+$0x0];
	[tilespmem:s30+$0x40A0] =	vst v5  }
0x68: {  	[tilespmem:s30+$0x40B0] =	vst v0  }
0x69: {  	[tilespmem:s30+$0x40C0] =	vst v1  }
0x6a: {  	[tilespmem:s30+$0x40D0] =	vst v2  }
0x6b: {  	[tilespmem:s30+$0x40E0] =	vst v3  }
0x6c: {  	[tilespmem:s30+$0x4000] =	vst v4  }
0x6d: {  	_ =	swait.ge [sflag:s22], $0x40  }
0x6e: {  	[sflag:s22] =	ssyncset.done $0x0  }
0x6f: {  	s30 =	simm.s32 $0x200;
	[sflag:s22] =	ssyncadd.s32 $0xFFFFFFC0  }
0x70: {  	[tilespmem:s23], [sflag:$0x3] =	stream.indirect.gather.add.f32 [hbm:s1], $0x80, s16, s20, $0xb8;
	[tilespmem:$0x8200] =	vst v63  }
0x71: {  	v1 =	vld [tilespmem:s30+$0x10]  }
0x72: {  	v2 =	vld [tilespmem:s30+$0x20]  }
0x73: {  	v0 =	vld [tilespmem:s30+$0xF0]  }
0x74: {  	v3 =	vld [tilespmem:s30+$0x30]  }
0x75: {  	v4 =	vld [tilespmem:s30+$0x40]  }
0x76: {  	v5 =	vld [tilespmem:s30+$0x50];
	[tilespmem:s30+$0x6010] =	vst v1  }
0x77: {  	v6 =	vld [tilespmem:s30+$0x60];
	[tilespmem:s30+$0x6020] =	vst v2  }
0x78: {  	v8 =	vld [tilespmem:s30+$0x90];
	[tilespmem:s30+$0x60F0] =	vst v0  }
0x79: {  	v2 =	vld [tilespmem:s30+$0x80];
	[tilespmem:s30+$0x6030] =	vst v3  }
0x7a: {  	v7 =	vld [tilespmem:s30+$0x70];
	[tilespmem:s30+$0x6040] =	vst v4  }
0x7b: {  	v9 =	vld [tilespmem:s30+$0xA0];
	[tilespmem:s30+$0x6050] =	vst v5  }
0x7c: {  	v0 =	vld [tilespmem:s30+$0xB0];
	[tilespmem:s30+$0x6060] =	vst v6  }
0x7d: {  	v1 =	vld [tilespmem:s30+$0xC0];
	[tilespmem:s30+$0x6090] =	vst v8  }
0x7e: {  	[tilespmem:s30+$0x6080] =	vst v2;
	v2 =	vld [tilespmem:s30+$0xD0]  }
0x7f: {  	[tilespmem:s30+$0x6070] =	vst v7;
	v3 =	vld [tilespmem:s30+$0xE0]  }
0x80: {  	s31 =	simm.s32 $0x0;
	s2 =	simm.s32 $0x300;
	v4 =	vld [tilespmem:s30+$0x0];
	[tilespmem:s30+$0x60A0] =	vst v9  }
.LBB2_6:
0x81: {  	v5 =	vld [tilespmem:s2+$0xF0];
	s31 =	sadd.s32 $0x2, s31;
	[tilespmem:s30+$0x60B0] =	vst v0  }
0x82: {  	v0 =	vld [tilespmem:s2+$0x10];
	p0 =	slt.u32 s31, $0x3E;
	[tilespmem:s30+$0x60C0] =	vst v1  }
0x83: {  	v1 =	vld [tilespmem:s2+$0x20];
	[tilespmem:s30+$0x60D0] =	vst v2  }
0x84: {  	v2 =	vld [tilespmem:s2+$0x30];
	[tilespmem:s30+$0x60E0] =	vst v3  }
0x85: {  	v3 =	vld [tilespmem:s2+$0x40];
	[tilespmem:s30+$0x6000] =	vst v4;
	s30 =	smov.u32 s2  }
0x86: {  	v4 =	vld [tilespmem:s2+$0x50];
	[tilespmem:s2+$0x60F0] =	vst v5  }
0x87: {  	[tilespmem:s2+$0x6010] =	vst v0;
	v0 =	vld [tilespmem:s2+$0x60]  }
0x88: {  	[tilespmem:s2+$0x6020] =	vst v1;
	v1 =	vld [tilespmem:s2+$0x70]  }
0x89: {  	[tilespmem:s2+$0x6030] =	vst v2;
	v2 =	vld [tilespmem:s2+$0x80]  }
0x8a: {  	[tilespmem:s2+$0x6040] =	vst v3;
	v3 =	vld [tilespmem:s2+$0x90]  }
0x8b: {  	[tilespmem:s2+$0x6050] =	vst v4;
	v5 =	vld [tilespmem:s2+$0xA0]  }
.Ltmp2:
0x8c: {  	[tilespmem:s2+$0x6060] =	vst v0;
	v0 =	vld [tilespmem:s2+$0xB0];
	(pc) =	sbr.rel @p0 .LBB2_6-.Ltmp2, $4  }
0x8d: {  	[tilespmem:s2+$0x6070] =	vst v1;
	v1 =	vld [tilespmem:s2+$0xC0]  }
0x8e: {  	[tilespmem:s2+$0x6080] =	vst v2;
	v2 =	vld [tilespmem:s2+$0xD0]  }
0x8f: {  	[tilespmem:s2+$0x6090] =	vst v3;
	v3 =	vld [tilespmem:s2+$0xE0]  }
0x90: {  	s2 =	sadd.s32 $0x100, s2;
	v4 =	vld [tilespmem:s30+$0x0];
	[tilespmem:s30+$0x60A0] =	vst v5  }
0x91: {  	[tilespmem:s30+$0x60B0] =	vst v0  }
0x92: {  	[tilespmem:s30+$0x60C0] =	vst v1  }
0x93: {  	[tilespmem:s30+$0x60D0] =	vst v2  }
0x94: {  	[tilespmem:s30+$0x60E0] =	vst v3  }
0x95: {  	[tilespmem:s30+$0x6000] =	vst v4  }
0x96: {  	_ =	swait.ge [sflag:s24], $0x40  }
0x97: {  	[sflag:s24] =	ssyncset.done $0x0  }
0x98: {  	[sflag:s24] =	ssyncadd.s32 $0xFFFFFFC0  }
0x99: {  	[tilespmem:s25], [sflag:$0x4] =	stream.indirect.gather.add.f32 [hbm:s1], $0x80, s17, s20, $0xb8;
	[tilespmem:$0x8200] =	vst v63  }
0x9a: {  	_ =	swait.ge [sflag:s26], $0x40  }
0x9b: {  	[sflag:s26] =	ssyncset.done $0x0  }
0x9c: {  	[sflag:s26] =	ssyncadd.s32 $0xFFFFFFC0  }
0x9d: {  	[tilespmem:s14], [sflag:$0x1] =	stream.indirect.gather.add.f32 [hbm:s1], $0x80, s3, s20, $0xb8;
	[tilespmem:$0x8200] =	vst v63  }
0x9e: {  	_ =	swait.ge [sflag:s26], $0x2000  }
0x9f: {  	[sflag:s26] =	ssyncset.done $0x0  }
0xa0: {  	[sflag:s26] =	ssyncadd.s32 $0xFFFFE000  }
0xa1: {  	[hbm4b:s7+s3] =	stream.linear.scatter [tilespmem:s14], [sflag:$0x6], $0x2000, $0x38;
	[tilespmem:$0x8200] =	vst v63  }
0xa2: {  	_ =	swait.ge [sflag:s19], $0x2000  }
0xa3: {  	[sflag:s19] =	ssyncset.done $0x0  }
0xa4: {  	[sflag:s19] =	ssyncadd.s32 $0xFFFFE000  }
0xa5: {  	[hbm4b:s10+s3] =	stream.linear.scatter [tilespmem:s21], [sflag:$0x6], $0x2000, $0x38;
	[tilespmem:$0x8200] =	vst v63  }
0xa6: {  	_ =	swait.ge [sflag:s22], $0x2000  }
0xa7: {  	[sflag:s22] =	ssyncset.done $0x0  }
0xa8: {  	[sflag:s22] =	ssyncadd.s32 $0xFFFFE000  }
0xa9: {  	[hbm4b:s11+s3] =	stream.linear.scatter [tilespmem:s23], [sflag:$0x6], $0x2000, $0x38;
	[tilespmem:$0x8200] =	vst v63  }
0xaa: {  	_ =	swait.ge [sflag:s24], $0x2000  }
0xab: {  	[sflag:s24] =	ssyncset.done $0x0  }
0xac: {  	[sflag:s24] =	ssyncadd.s32 $0xFFFFE000  }
0xad: {  	[hbm4b:s12+s3] =	stream.linear.scatter [tilespmem:s25], [sflag:$0x6], $0x2000, $0x38;
	[tilespmem:$0x8200] =	vst v63  }
0xae: {  	_ =	swait.ge [sflag:s28], $0x2000  }
0xaf: {  	[sflag:s28] =	ssyncset.done $0x0  }
0xb0: {  	[sflag:s28] =	ssyncadd.s32 $0xFFFFE000  }
0xb1: {  	_ =	swait.ge [sflag:s28], $0x2000  }
0xb2: {  	[sflag:s28] =	ssyncset.done $0x0  }
0xb3: {  	s29 =	sadd.s32 $0x1, s29;
	[sflag:s28] =	ssyncadd.s32 $0xFFFFE000  }
0xb4: {  	p0 =	sne.s32 s29, s13;
	_ =	swait.ge [sflag:s28], $0x2000  }
.Ltmp3:
0xb5: {  	[sflag:s28] =	ssyncset.done $0x0;
	(pc) =	sbr.rel @p0 .LBB2_1-.Ltmp3, $4  }
0xb6: {  	[sflag:s28] =	ssyncadd.s32 $0xFFFFE000  }
0xb7: {  	_ =	swait.ge [sflag:s28], $0x2000  }
0xb8: {  	[sflag:s28] =	ssyncset.done $0x0  }
0xb9: {  	[sflag:s28] =	ssyncadd.s32 $0xFFFFE000  }
0xba: {  	_ =	sfence.sel $0x180000  }
0xbb: {  	[bflag:$0x0] =	sbarrier.arrive $0xFFFF  }
0xbc: {  	_ =	strace $0x90000047  }
0xbd: {  	[bflag:$0x2] =	sbarrier.arrive $0xFFFF  }
0xbe: {  	p0 =	sne.s32 s0, $0x0;
	s0 =	rddreg [dreg:$0x4]  }
0xbf: {  	s0 =	sadd.s32 @!p0 $0x100000, s0  }
0xc0: {  	[sflag:s0] =	ssyncadd.tile.s32 @!p0 $0x1;
	_ =	shalt  }
.Lfunc_end2:
_tile_overlayer_lowered:
.L_overlay_start_2:
0xc1: {  	(tag) =	ssettag $0x2  }
0xc2: {  	s0 =	rddreg [dreg:$0x0];
	s2 =	stileid.u32  }
0xc3: {  	s1 =	rddreg [dreg:$0x1];
	p0 =	sne.s32 s2, $0x0  }
0xc4: {  	s3 =	rddreg [dreg:$0x2];
	[bflag:$0x3] =	sbarrier.arrive $0xFFFF;
	s2 =	simm.s32 @!p0 $0x1C07  }
0xc5: {  	[timem:s3], [sflag:s2] =	dma.local @!p0 [hbm:s0], s1  }
0xc6: {  	s0 =	simm.s32 @!p0 $0x7  }
0xc7: {  	_ =	swait.ge @!p0 [sflag:s0], s1  }
0xc8: {  	s1 =	ssub.s32 @!p0 $0x0, s1;
	[sflag:s0] =	ssyncset.done @!p0 $0x0  }
0xc9: {  	[sflag:s0] =	ssyncadd.s32 @!p0 s1  }
0xca: {  	[bflag:$0x3] =	sbarrier.arrive $0xFFFF  }
0xcb: {  	_ =	shalt  }

</sc_bundles>
